<compile_context>
chip_gen: v7x
topology: tpu7x:2x2x1
jax: 0.10.2.dev20260603
libtpu: 0.0.44.dev20260713+nightly
codegen_flags: <defaults>
</compile_context>

<pallas_src>
import functools
import math

import jax
import jax.numpy as jnp
from jax import lax
from jax.experimental import pallas as pl
from jax.experimental.pallas import tpu as pltpu
from jax.experimental.pallas import tpu_sc as plsc

B, T, D = 2, 2048, 1024
E, DFF, CAP = 8, 4096, 512
N = B * T

W = 528
NSLOT = E * W

NC, NS = 2, 16
NW = NC * NS
_MESH = dict(core_axis_name="c", subcore_axis_name="s")

_F32 = jnp.float32
_I32 = jnp.int32


def _excl_prefix(m):
    rows = m.shape[0]
    lane = lax.broadcasted_iota(_I32, (rows, N), 1) & 15
    x = m
    for s in (1, 2, 4, 8):
        shifted = jnp.concatenate(
            [jnp.zeros((rows, s), _F32), x[:, : N - s]], axis=1)
        x = x + jnp.where(lane >= s, shifted, 0.0)
    in16 = x - m

    ri = lax.broadcasted_iota(_I32, (N, N // 16), 0)
    ci = lax.broadcasted_iota(_I32, (N, N // 16), 1)
    b16 = ((ri >> 4) == ci).astype(_F32)
    cnt = lax.dot_general(m, b16, (((1,), (0,)), ((), ())),
                          preferred_element_type=_F32,
                          precision=lax.Precision.HIGHEST)
    i16 = lax.broadcasted_iota(_I32, (N // 16, N // 16), 0)
    j16 = lax.broadcasted_iota(_I32, (N // 16, N // 16), 1)
    slt = (i16 < j16).astype(_F32)
    base = lax.dot_general(cnt, slt, (((1,), (0,)), ((), ())),
                           preferred_element_type=_F32,
                           precision=lax.Precision.HIGHEST)
    rj = lax.broadcasted_iota(_I32, (N // 16, N), 0)
    cj = lax.broadcasted_iota(_I32, (N // 16, N), 1)
    b16t = (rj == (cj >> 4)).astype(_F32)
    cb = lax.dot_general(base, b16t, (((1,), (0,)), ((), ())),
                         preferred_element_type=_F32,
                         precision=lax.Precision.HIGHEST)
    return cb + in16


def _router_body(wr_ref, x_ref, probs_ref, pos_ref):
    wr = wr_ref[...]
    x = x_ref[...]
    logits = lax.dot_general(
        wr, x, (((1,), (1,)), ((), ())),
        preferred_element_type=_F32,
    )
    mx = jnp.max(logits, axis=1, keepdims=True)
    p = jnp.exp(logits - mx)
    sm = jnp.sum(p, axis=1, keepdims=True)
    probs = p / sm
    probs_ref[...] = probs

    pbits = lax.bitcast_convert_type(probs, _I32)

    def step(_, carry):
        lo, hi = carry
        mid = lo + ((hi - lo) >> 1)
        cnt = jnp.sum((pbits >= mid).astype(_I32), axis=1, keepdims=True)
        ok = cnt >= CAP
        return jnp.where(ok, mid, lo), jnp.where(ok, hi, mid)

    lo0 = jnp.zeros((E, 1), _I32)
    hi0 = jnp.full((E, 1), 0x7F800000, _I32)
    tstar, _ = lax.fori_loop(0, 31, step, (lo0, hi0))

    m_gt = (pbits > tstar)
    m_eq = (pbits == tstar)
    mgt = m_gt.astype(_F32)
    meq = m_eq.astype(_F32)
    ranks = _excl_prefix(jnp.concatenate([mgt, meq], axis=0))
    rank_gt = ranks[:E]
    tot_gt = jnp.sum(mgt, axis=1, keepdims=True)
    rank_eq = tot_gt + ranks[E:]

    pos = jnp.where(m_gt, rank_gt, jnp.where(m_eq, rank_eq, float(CAP)))
    pos = jnp.minimum(pos, float(CAP))
    eoff = lax.broadcasted_iota(_I32, (E, 1), 0).astype(_F32) * float(W)
    pos_ref[...] = (pos + eoff).astype(_I32)


def _router(x_flat, Wr):
    return pl.pallas_call(
        _router_body,
        out_shape=(
            jax.ShapeDtypeStruct((E, N), _F32),
            jax.ShapeDtypeStruct((E, N), _I32),
        ),
    )(Wr, x_flat)


def _select_body(pos_hbm, probs_hbm, idx_hbm, vals_hbm,
                 pos_v, p_v, ids_v, sem1, sem2):
    c = lax.axis_index("c")
    s = lax.axis_index("s")
    e = c * 4 + s

    @pl.when(s < 4)
    def _():
        pltpu.sync_copy(pos_hbm.at[e], pos_v)
        pltpu.sync_copy(probs_hbm.at[e], p_v)

        def fill(k, carry):
            ids_v[pl.ds(k * 16, 16)] = k * 16 + lax.iota(_I32, 16)
            return carry

        lax.fori_loop(0, N // 16, fill, 0, unroll=False)
        cp1 = pltpu.async_copy(ids_v, idx_hbm.at[pos_v], sem1)
        cp2 = pltpu.async_copy(p_v, vals_hbm.at[pos_v], sem2)
        cp1.wait()
        cp2.wait()


def _select(posg, probsT):
    return pl.kernel(
        _select_body,
        mesh=plsc.VectorSubcoreMesh(**_MESH),
        out_type=(
            jax.ShapeDtypeStruct((NSLOT,), _I32),
            jax.ShapeDtypeStruct((NSLOT,), _F32),
        ),
        scratch_types=[
            pltpu.VMEM((N,), _I32),
            pltpu.VMEM((N,), _F32),
            pltpu.VMEM((N,), _I32),
            pltpu.SemaphoreType.DMA,
            pltpu.SemaphoreType.DMA,
        ],
    )(posg, probsT)


_GCHUNK = 64


def _gather_body(x_hbm, idx_hbm, xe_hbm, idx_v, rows_v, sem):
    c = lax.axis_index("c")
    s = lax.axis_index("s")
    wid = s * NC + c
    rows_per_w = (E * CAP) // NW
    for k in range(rows_per_w // _GCHUNK):
        base = wid * rows_per_w + k * _GCHUNK
        pltpu.sync_copy(idx_hbm.at[pl.ds(base, _GCHUNK)], idx_v)
        pltpu.async_copy(x_hbm.at[idx_v], rows_v, sem).wait()
        pltpu.sync_copy(rows_v, xe_hbm.at[pl.ds(base, _GCHUNK)])


def _gather(x_flat, idx_flat):
    return pl.kernel(
        _gather_body,
        mesh=plsc.VectorSubcoreMesh(**_MESH),
        out_type=jax.ShapeDtypeStruct((E * CAP, D), _F32),
        scratch_types=[
            pltpu.VMEM((_GCHUNK,), _I32),
            pltpu.VMEM((_GCHUNK, D), _F32),
            pltpu.SemaphoreType.DMA,
        ],
    )(x_flat, idx_flat)


_DT = 1024
_NJ = DFF // _DT


def _ffn_body(xe_ref, w1_ref, b1_ref, w2_ref, b2_ref, vals_ref, y_ref, acc):
    j = pl.program_id(1)
    xb = xe_ref[0].astype(jnp.bfloat16)
    w1 = w1_ref[0].astype(jnp.bfloat16)
    h = lax.dot_general(xb, w1, (((1,), (1,)), ((), ())),
                        preferred_element_type=_F32)
    h = h + b1_ref[0]
    h = h * 0.5 * (1.0 + lax.erf(h * (1.0 / math.sqrt(2.0))))
    w2 = w2_ref[0].astype(jnp.bfloat16)
    contrib = lax.dot_general(h.astype(jnp.bfloat16), w2,
                              (((1,), (1,)), ((), ())),
                              preferred_element_type=_F32)

    @pl.when(j == 0)
    def _():
        acc[...] = contrib

    @pl.when(j > 0)
    def _():
        acc[...] += contrib

    @pl.when(j == _NJ - 1)
    def _():
        y = (acc[...] + b2_ref[0]) * vals_ref[0]
        y_ref[pl.ds(0, CAP), :] = y.astype(jnp.bfloat16)
        y_ref[pl.ds(CAP, W - CAP), :] = jnp.zeros((W - CAP, D), jnp.bfloat16)


def _ffn(xe, W1, b1, W2, b2, vals):
    b1r = b1.reshape(E, 1, DFF)
    b2r = b2.reshape(E, 1, D)
    vals3 = vals.reshape(E, CAP, 1)
    return pl.pallas_call(
        _ffn_body,
        grid=(E, _NJ),
        in_specs=[
            pl.BlockSpec((1, CAP, D), lambda e, j: (e, 0, 0)),
            pl.BlockSpec((1, _DT, D), lambda e, j: (e, j, 0)),
            pl.BlockSpec((1, 1, _DT), lambda e, j: (e, 0, j)),
            pl.BlockSpec((1, D, _DT), lambda e, j: (e, 0, j)),
            pl.BlockSpec((1, 1, D), lambda e, j: (e, 0, 0)),
            pl.BlockSpec((1, CAP, 1), lambda e, j: (e, 0, 0)),
        ],
        out_specs=pl.BlockSpec((W, D), lambda e, j: (e, 0)),
        out_shape=jax.ShapeDtypeStruct((NSLOT, D), jnp.bfloat16),
        scratch_shapes=[pltpu.VMEM((CAP, D), _F32)],
        compiler_params=pltpu.CompilerParams(
            dimension_semantics=("arbitrary", "arbitrary"),
        ),
    )(xe.reshape(E, CAP, D), W1, b1r, W2, b2r, vals3)


_TT = 512


def _combine_body(idx_ref, y_ref, out_ref):
    t = pl.program_id(0)
    idxcat = jnp.concatenate([idx_ref[e] for e in range(E)], axis=1)
    tio = lax.broadcasted_iota(_I32, (_TT, 1), 0) + t * _TT
    sel = (tio == idxcat).astype(jnp.bfloat16)
    out_ref[...] = lax.dot_general(sel, y_ref[...], (((1,), (0,)), ((), ())),
                                   preferred_element_type=_F32)


def _combine(idx2, yb):
    idx3 = idx2.reshape(E, 1, W)
    return pl.pallas_call(
        _combine_body,
        grid=(N // _TT,),
        in_specs=[
            pl.BlockSpec((E, 1, W), lambda t: (0, 0, 0)),
            pl.BlockSpec((NSLOT, D), lambda t: (0, 0)),
        ],
        out_specs=pl.BlockSpec((_TT, D), lambda t: (t, 0)),
        out_shape=jax.ShapeDtypeStruct((N, D), _F32),
        compiler_params=pltpu.CompilerParams(
            dimension_semantics=("arbitrary",),
        ),
    )(idx3, yb)


def kernel(x, Wr, W1, b1, W2, b2):
    x_flat = x.reshape(N, D)
    probsT, posg = _router(x_flat, Wr)
    idx2, vals2 = _select(posg, probsT)
    idx_flat = idx2.reshape(E, W)[:, :CAP].reshape(E * CAP)
    vals = vals2.reshape(E, W)[:, :CAP]
    xe = _gather(x_flat, idx_flat)
    yb = _ffn(xe, W1, b1, W2, b2, vals)
    out = _combine(idx2, yb)
    return out.reshape(B, T, D)

# --- scband reference (transcript-rebuilt; emitter-appended) ---
"""Pipeline reference for scband-expert-choice-layer-48576080118267 (READ-ONLY COPY).

The authoritative reference and input builder live on the scoring server;
editing this copy changes nothing except your own understanding.
"""

import jax, jax.numpy as jnp
import numpy as np

B, T, D = 2, 2048, 1024
E, DFF, CAP = 8, 4096, 512


def setup_inputs(seed: int = 0) -> dict:
    key = jax.random.key(seed)
    ks = jax.random.split(key, 6)
    x = jax.random.normal(ks[0], (B, T, D), dtype=jnp.float32)
    Wr = jax.random.normal(ks[1], (E, D), dtype=jnp.float32) * 0.02
    W1 = jax.random.normal(ks[2], (E, DFF, D), dtype=jnp.float32) * 0.02
    b1 = jnp.zeros((E, DFF), dtype=jnp.float32)
    W2 = jax.random.normal(ks[3], (E, D, DFF), dtype=jnp.float32) * 0.02
    b2 = jnp.zeros((E, D), dtype=jnp.float32)
    return {"x": x, "Wr": Wr, "W1": W1, "b1": b1, "W2": W2, "b2": b2}


def reference(x, Wr, W1, b1, W2, b2):
    b, t, d = x.shape
    n = b * t
    x_flat = x.reshape(n, d)
    C = min(CAP, n)
    # router: nn.Linear(d_model, num_experts, bias=False)
    logits = x_flat @ Wr.T  # [N, E]
    # softmax over tokens (dim=0), per Expert-Choice routing
    probs = jax.nn.softmax(logits, axis=0)  # [N, E]
    output = jnp.zeros_like(x_flat)
    num_experts = Wr.shape[0]
    for e in range(num_experts):
        expert_probs = probs[:, e]  # [N]
        topC_vals, topC_idx = jax.lax.top_k(expert_probs, C)
        selected = jnp.take(x_flat, topC_idx, axis=0)  # [C, D] gather
        h = jax.nn.gelu(selected @ W1[e].T + b1[e], approximate=False)
        expert_out = h @ W2[e].T + b2[e]  # [C, D]
        # scatter_add back to token positions
        output = output.at[topC_idx].add(topC_vals[:, None] * expert_out)
    return output.reshape(b, t, d)

if __name__ == "__main__":
    import jax
    _d = setup_inputs()
    print(jax.jit(kernel)(*tuple(_d.values())))

</pallas_src>

<mosaic_0001>
#map = affine_map<(d0, d1) -> (0, 0)>
#map1 = affine_map<(d0, d1) -> (0)>
module attributes {stable_mosaic.version = 14 : i64} {
  func.func @_select_body(%arg0: i32, %arg1: i32, %arg2: memref<8x4096xi32, #tpu.memory_space<hbm>>, %arg3: memref<8x4096xf32, #tpu.memory_space<hbm>>, %arg4: memref<4224xi32, #tpu.memory_space<hbm>>, %arg5: memref<4224xf32, #tpu.memory_space<hbm>>, %arg6: memref<4096xi32, #tpu.memory_space<vmem>>, %arg7: memref<4096xf32, #tpu.memory_space<vmem>>, %arg8: memref<4096xi32, #tpu.memory_space<vmem>>, %arg9: memref<!tpu.dma_semaphore, #tpu.memory_space<semaphore_mem>>, %arg10: memref<!tpu.dma_semaphore, #tpu.memory_space<semaphore_mem>>) attributes {dimension_semantics = [#tpu.dimension_semantics<core_parallel>, #tpu.dimension_semantics<subcore_parallel>], iteration_bounds = array<i64: 2, 16>, scalar_prefetch = 0 : i64, scratch_operands = 5 : i64, tpu.core_type = #tpu.core_type<sc_vector_subcore>, window_params = [{transform_indices = #map}, {transform_indices = #map}, {transform_indices = #map1}, {transform_indices = #map1}]} {
    %mul3A = arith.constant 4 : i32
    %mul3A_0 = arith.muli %arg0, %mul3A : i32
    %add3A = arith.addi %mul3A_0, %arg1 : i32
    %lt3A = arith.constant 4 : i32
    %lt3A_1 = arith.cmpi slt, %arg1, %lt3A : i32
    %convert_element_type3A = arith.extui %lt3A_1 : i1 to i32
    %cond3A = arith.constant 0 : i32
    %cond3A_2 = arith.cmpi ne, %convert_element_type3A, %cond3A : i32
    scf.if %cond3A_2 {
      "tpu.region"() ({
        %run_scoped3A = tpu.sem_alloc : memref<!tpu.dma_semaphore, #tpu.memory_space<semaphore_mem>>
        %dma_start3A_14 = arith.constant 0 : i32
        %dma_start3A_15 = tpu.memref_slice %arg2[%add3A, %dma_start3A_14] : memref<8x4096xi32, #tpu.memory_space<hbm>> -> memref<1x4096xi32, #tpu.memory_space<hbm>>
        %dma_start3A_16 = tpu.memref_squeeze %dma_start3A_15 : memref<1x4096xi32, #tpu.memory_space<hbm>> -> memref<4096xi32, #tpu.memory_space<hbm>>
        %dma_start3A_17 = arith.constant 0 : i32
        %dma_start3A_18 = tpu.memref_slice %arg2[%add3A, %dma_start3A_17] : memref<8x4096xi32, #tpu.memory_space<hbm>> -> memref<1x4096xi32, #tpu.memory_space<hbm>>
        %dma_start3A_19 = tpu.memref_squeeze %dma_start3A_18 : memref<1x4096xi32, #tpu.memory_space<hbm>> -> memref<4096xi32, #tpu.memory_space<hbm>>
        tpu.enqueue_dma source(%dma_start3A_19 : memref<4096xi32, #tpu.memory_space<hbm>>) target(%arg6 : memref<4096xi32, #tpu.memory_space<vmem>>) target_semaphore(%run_scoped3A : memref<!tpu.dma_semaphore, #tpu.memory_space<semaphore_mem>>)
        %dma_wait3A_20 = arith.constant 0 : i32
        %dma_wait3A_21 = tpu.memref_slice %arg2[%add3A, %dma_wait3A_20] : memref<8x4096xi32, #tpu.memory_space<hbm>> -> memref<1x4096xi32, #tpu.memory_space<hbm>>
        %dma_wait3A_22 = tpu.memref_squeeze %dma_wait3A_21 : memref<1x4096xi32, #tpu.memory_space<hbm>> -> memref<4096xi32, #tpu.memory_space<hbm>>
        %dma_wait3A_23 = arith.constant 0 : i32
        %dma_wait3A_24 = tpu.memref_slice %arg2[%add3A, %dma_wait3A_23] : memref<8x4096xi32, #tpu.memory_space<hbm>> -> memref<1x4096xi32, #tpu.memory_space<hbm>>
        %dma_wait3A_25 = tpu.memref_squeeze %dma_wait3A_24 : memref<1x4096xi32, #tpu.memory_space<hbm>> -> memref<4096xi32, #tpu.memory_space<hbm>>
        tpu.wait_dma2 semaphore(%run_scoped3A : memref<!tpu.dma_semaphore, #tpu.memory_space<semaphore_mem>>) src(%dma_wait3A_25 : memref<4096xi32, #tpu.memory_space<hbm>>) dst(%arg6 : memref<4096xi32, #tpu.memory_space<vmem>>)
        tpu.yield
      }) : () -> ()
      "tpu.region"() ({
        %run_scoped3A = tpu.sem_alloc : memref<!tpu.dma_semaphore, #tpu.memory_space<semaphore_mem>>
        %dma_start3A_14 = arith.constant 0 : i32
        %dma_start3A_15 = tpu.memref_slice %arg3[%add3A, %dma_start3A_14] : memref<8x4096xf32, #tpu.memory_space<hbm>> -> memref<1x4096xf32, #tpu.memory_space<hbm>>
        %dma_start3A_16 = tpu.memref_squeeze %dma_start3A_15 : memref<1x4096xf32, #tpu.memory_space<hbm>> -> memref<4096xf32, #tpu.memory_space<hbm>>
        %dma_start3A_17 = arith.constant 0 : i32
        %dma_start3A_18 = tpu.memref_slice %arg3[%add3A, %dma_start3A_17] : memref<8x4096xf32, #tpu.memory_space<hbm>> -> memref<1x4096xf32, #tpu.memory_space<hbm>>
        %dma_start3A_19 = tpu.memref_squeeze %dma_start3A_18 : memref<1x4096xf32, #tpu.memory_space<hbm>> -> memref<4096xf32, #tpu.memory_space<hbm>>
        tpu.enqueue_dma source(%dma_start3A_19 : memref<4096xf32, #tpu.memory_space<hbm>>) target(%arg7 : memref<4096xf32, #tpu.memory_space<vmem>>) target_semaphore(%run_scoped3A : memref<!tpu.dma_semaphore, #tpu.memory_space<semaphore_mem>>)
        %dma_wait3A_20 = arith.constant 0 : i32
        %dma_wait3A_21 = tpu.memref_slice %arg3[%add3A, %dma_wait3A_20] : memref<8x4096xf32, #tpu.memory_space<hbm>> -> memref<1x4096xf32, #tpu.memory_space<hbm>>
        %dma_wait3A_22 = tpu.memref_squeeze %dma_wait3A_21 : memref<1x4096xf32, #tpu.memory_space<hbm>> -> memref<4096xf32, #tpu.memory_space<hbm>>
        %dma_wait3A_23 = arith.constant 0 : i32
        %dma_wait3A_24 = tpu.memref_slice %arg3[%add3A, %dma_wait3A_23] : memref<8x4096xf32, #tpu.memory_space<hbm>> -> memref<1x4096xf32, #tpu.memory_space<hbm>>
        %dma_wait3A_25 = tpu.memref_squeeze %dma_wait3A_24 : memref<1x4096xf32, #tpu.memory_space<hbm>> -> memref<4096xf32, #tpu.memory_space<hbm>>
        tpu.wait_dma2 semaphore(%run_scoped3A : memref<!tpu.dma_semaphore, #tpu.memory_space<semaphore_mem>>) src(%dma_wait3A_25 : memref<4096xf32, #tpu.memory_space<hbm>>) dst(%arg7 : memref<4096xf32, #tpu.memory_space<vmem>>)
        tpu.yield
      }) : () -> ()
      %scan3A = arith.constant 0 : i32
      %scan3A_3 = arith.constant 0 : i32
      %scan3A_4 = arith.constant 256 : i32
      %scan3A_5 = arith.addi %scan3A_3, %scan3A_4 : i32
      %scan3A_6 = arith.constant 1 : i32
      scf.for %scan3A_14 = %scan3A_3 to %scan3A_5 step %scan3A_6  : i32 {
        %mul3A_15 = arith.constant 16 : i32
        %mul3A_16 = arith.muli %scan3A_14, %mul3A_15 : i32
        %iota3A = tpu.iota {dimensions = array<i32: 0>} : vector<16xi32>
        %add3A_17 = vector.broadcast %mul3A_16 : i32 to vector<16xi32>
        %add3A_18 = arith.addi %add3A_17, %iota3A : vector<16xi32>
        %mul3A_19 = arith.constant 16 : i32
        %mul3A_20 = arith.muli %scan3A_14, %mul3A_19 : i32
        %swap3A = arith.index_cast %mul3A_20 : i32 to index
        %swap3A_21 = tpu.vector_load %arg8[%swap3A] {strides = array<i32>} : memref<4096xi32, #tpu.memory_space<vmem>>, vector<16xi32>,
        %swap3A_22 = vector.shape_cast %swap3A_21 : vector<16xi32> to vector<16xi32>
        %swap3A_23 = vector.shape_cast %add3A_18 : vector<16xi32> to vector<16xi32>
        tpu.vector_store %arg8[%swap3A], %swap3A_23 {strides = array<i32>} : memref<4096xi32, #tpu.memory_space<vmem>>, vector<16xi32>,
      }
      %scan3A_7 = arith.constant 256 : i32
      %dma_start3A = arith.constant 0 : i32
      %dma_start3A_8 = tpu.memref_slice %arg4[%dma_start3A] : memref<4224xi32, #tpu.memory_space<hbm>> -> memref<4224xi32, #tpu.memory_space<hbm>>
      tpu.enqueue_indirect_dma source(%arg8 : memref<4096xi32, #tpu.memory_space<vmem>>) target(%dma_start3A_8 : memref<4224xi32, #tpu.memory_space<hbm>>) offsets(%arg6 : memref<4096xi32, #tpu.memory_space<vmem>>) semaphore(%arg9 : memref<!tpu.dma_semaphore, #tpu.memory_space<semaphore_mem>>)
      %dma_start3A_9 = arith.constant 0 : i32
      %dma_start3A_10 = tpu.memref_slice %arg5[%dma_start3A_9] : memref<4224xf32, #tpu.memory_space<hbm>> -> memref<4224xf32, #tpu.memory_space<hbm>>
      tpu.enqueue_indirect_dma source(%arg7 : memref<4096xf32, #tpu.memory_space<vmem>>) target(%dma_start3A_10 : memref<4224xf32, #tpu.memory_space<hbm>>) offsets(%arg6 : memref<4096xi32, #tpu.memory_space<vmem>>) semaphore(%arg10 : memref<!tpu.dma_semaphore, #tpu.memory_space<semaphore_mem>>)
      %dma_wait3A = arith.constant 0 : i32
      %dma_wait3A_11 = tpu.memref_slice %arg4[%dma_wait3A] : memref<4224xi32, #tpu.memory_space<hbm>> -> memref<4224xi32, #tpu.memory_space<hbm>>
      tpu.wait_indirect_dma semaphore(%arg9 : memref<!tpu.dma_semaphore, #tpu.memory_space<semaphore_mem>>) src(%arg8 : memref<4096xi32, #tpu.memory_space<vmem>>) dst(%dma_wait3A_11 : memref<4224xi32, #tpu.memory_space<hbm>>)
      %dma_wait3A_12 = arith.constant 0 : i32
      %dma_wait3A_13 = tpu.memref_slice %arg5[%dma_wait3A_12] : memref<4224xf32, #tpu.memory_space<hbm>> -> memref<4224xf32, #tpu.memory_space<hbm>>
      tpu.wait_indirect_dma semaphore(%arg10 : memref<!tpu.dma_semaphore, #tpu.memory_space<semaphore_mem>>) src(%arg7 : memref<4096xf32, #tpu.memory_space<vmem>>) dst(%dma_wait3A_13 : memref<4224xf32, #tpu.memory_space<hbm>>)
    } else {
    }
    return
  }
}

#map = affine_map<(d0, d1) -> (0, 0)>
#map1 = affine_map<(d0, d1) -> (0)>
module attributes {stable_mosaic.version = 14 : i64} {
  func.func @_gather_body(%arg0: i32, %arg1: i32, %arg2: memref<4096x1024xf32, #tpu.memory_space<hbm>>, %arg3: memref<4096xi32, #tpu.memory_space<hbm>>, %arg4: memref<4096x1024xf32, #tpu.memory_space<hbm>>, %arg5: memref<64xi32, #tpu.memory_space<vmem>>, %arg6: memref<64x1024xf32, #tpu.memory_space<vmem>>, %arg7: memref<!tpu.dma_semaphore, #tpu.memory_space<semaphore_mem>>) attributes {dimension_semantics = [#tpu.dimension_semantics<core_parallel>, #tpu.dimension_semantics<subcore_parallel>], iteration_bounds = array<i64: 2, 16>, scalar_prefetch = 0 : i64, scratch_operands = 3 : i64, tpu.core_type = #tpu.core_type<sc_vector_subcore>, window_params = [{transform_indices = #map}, {transform_indices = #map1}, {transform_indices = #map}]} {
    %mul3A = arith.constant 2 : i32
    %mul3A_0 = arith.muli %arg1, %mul3A : i32
    %add3A = arith.addi %mul3A_0, %arg0 : i32
    %mul3A_1 = arith.constant 128 : i32
    %mul3A_2 = arith.muli %add3A, %mul3A_1 : i32
    %add3A_3 = arith.constant 0 : i32
    %add3A_4 = arith.addi %mul3A_2, %add3A_3 : i32
    "tpu.region"() ({
      %run_scoped3A = tpu.sem_alloc : memref<!tpu.dma_semaphore, #tpu.memory_space<semaphore_mem>>
      %dma_start3A_19 = tpu.memref_slice %arg3[%add3A_4] : memref<4096xi32, #tpu.memory_space<hbm>> -> memref<64xi32, #tpu.memory_space<hbm>>
      %dma_start3A_20 = tpu.memref_slice %arg3[%add3A_4] : memref<4096xi32, #tpu.memory_space<hbm>> -> memref<64xi32, #tpu.memory_space<hbm>>
      tpu.enqueue_dma source(%dma_start3A_20 : memref<64xi32, #tpu.memory_space<hbm>>) target(%arg5 : memref<64xi32, #tpu.memory_space<vmem>>) target_semaphore(%run_scoped3A : memref<!tpu.dma_semaphore, #tpu.memory_space<semaphore_mem>>)
      %dma_wait3A_21 = tpu.memref_slice %arg3[%add3A_4] : memref<4096xi32, #tpu.memory_space<hbm>> -> memref<64xi32, #tpu.memory_space<hbm>>
      %dma_wait3A_22 = tpu.memref_slice %arg3[%add3A_4] : memref<4096xi32, #tpu.memory_space<hbm>> -> memref<64xi32, #tpu.memory_space<hbm>>
      tpu.wait_dma2 semaphore(%run_scoped3A : memref<!tpu.dma_semaphore, #tpu.memory_space<semaphore_mem>>) src(%dma_wait3A_22 : memref<64xi32, #tpu.memory_space<hbm>>) dst(%arg5 : memref<64xi32, #tpu.memory_space<vmem>>)
      tpu.yield
    }) : () -> ()
    %dma_start3A = arith.constant 0 : i32
    %dma_start3A_5 = arith.constant 0 : i32
    %dma_start3A_6 = tpu.memref_slice %arg2[%dma_start3A, %dma_start3A_5] : memref<4096x1024xf32, #tpu.memory_space<hbm>> -> memref<4096x1024xf32, #tpu.memory_space<hbm>>
    tpu.enqueue_indirect_dma source(%dma_start3A_6 : memref<4096x1024xf32, #tpu.memory_space<hbm>>) target(%arg6 : memref<64x1024xf32, #tpu.memory_space<vmem>>) offsets(%arg5 : memref<64xi32, #tpu.memory_space<vmem>>) semaphore(%arg7 : memref<!tpu.dma_semaphore, #tpu.memory_space<semaphore_mem>>)
    %dma_wait3A = arith.constant 0 : i32
    %dma_wait3A_7 = arith.constant 0 : i32
    %dma_wait3A_8 = tpu.memref_slice %arg2[%dma_wait3A, %dma_wait3A_7] : memref<4096x1024xf32, #tpu.memory_space<hbm>> -> memref<4096x1024xf32, #tpu.memory_space<hbm>>
    tpu.wait_indirect_dma semaphore(%arg7 : memref<!tpu.dma_semaphore, #tpu.memory_space<semaphore_mem>>) src(%dma_wait3A_8 : memref<4096x1024xf32, #tpu.memory_space<hbm>>) dst(%arg6 : memref<64x1024xf32, #tpu.memory_space<vmem>>)
    "tpu.region"() ({
      %run_scoped3A = tpu.sem_alloc : memref<!tpu.dma_semaphore, #tpu.memory_space<semaphore_mem>>
      %dma_start3A_19 = arith.constant 0 : i32
      %dma_start3A_20 = tpu.memref_slice %arg4[%add3A_4, %dma_start3A_19] : memref<4096x1024xf32, #tpu.memory_space<hbm>> -> memref<64x1024xf32, #tpu.memory_space<hbm>>
      %dma_start3A_21 = arith.constant 0 : i32
      %dma_start3A_22 = tpu.memref_slice %arg4[%add3A_4, %dma_start3A_21] : memref<4096x1024xf32, #tpu.memory_space<hbm>> -> memref<64x1024xf32, #tpu.memory_space<hbm>>
      tpu.enqueue_dma source(%arg6 : memref<64x1024xf32, #tpu.memory_space<vmem>>) target(%dma_start3A_22 : memref<64x1024xf32, #tpu.memory_space<hbm>>) target_semaphore(%run_scoped3A : memref<!tpu.dma_semaphore, #tpu.memory_space<semaphore_mem>>)
      %dma_wait3A_23 = arith.constant 0 : i32
      %dma_wait3A_24 = tpu.memref_slice %arg4[%add3A_4, %dma_wait3A_23] : memref<4096x1024xf32, #tpu.memory_space<hbm>> -> memref<64x1024xf32, #tpu.memory_space<hbm>>
      %dma_wait3A_25 = arith.constant 0 : i32
      %dma_wait3A_26 = tpu.memref_slice %arg4[%add3A_4, %dma_wait3A_25] : memref<4096x1024xf32, #tpu.memory_space<hbm>> -> memref<64x1024xf32, #tpu.memory_space<hbm>>
      tpu.wait_dma2 semaphore(%run_scoped3A : memref<!tpu.dma_semaphore, #tpu.memory_space<semaphore_mem>>) src(%arg6 : memref<64x1024xf32, #tpu.memory_space<vmem>>) dst(%dma_wait3A_26 : memref<64x1024xf32, #tpu.memory_space<hbm>>)
      tpu.yield
    }) : () -> ()
    %mul3A_9 = arith.constant 128 : i32
    %mul3A_10 = arith.muli %add3A, %mul3A_9 : i32
    %add3A_11 = arith.constant 64 : i32
    %add3A_12 = arith.addi %mul3A_10, %add3A_11 : i32
    "tpu.region"() ({
      %run_scoped3A = tpu.sem_alloc : memref<!tpu.dma_semaphore, #tpu.memory_space<semaphore_mem>>
      %dma_start3A_19 = tpu.memref_slice %arg3[%add3A_12] : memref<4096xi32, #tpu.memory_space<hbm>> -> memref<64xi32, #tpu.memory_space<hbm>>
      %dma_start3A_20 = tpu.memref_slice %arg3[%add3A_12] : memref<4096xi32, #tpu.memory_space<hbm>> -> memref<64xi32, #tpu.memory_space<hbm>>
      tpu.enqueue_dma source(%dma_start3A_20 : memref<64xi32, #tpu.memory_space<hbm>>) target(%arg5 : memref<64xi32, #tpu.memory_space<vmem>>) target_semaphore(%run_scoped3A : memref<!tpu.dma_semaphore, #tpu.memory_space<semaphore_mem>>)
      %dma_wait3A_21 = tpu.memref_slice %arg3[%add3A_12] : memref<4096xi32, #tpu.memory_space<hbm>> -> memref<64xi32, #tpu.memory_space<hbm>>
      %dma_wait3A_22 = tpu.memref_slice %arg3[%add3A_12] : memref<4096xi32, #tpu.memory_space<hbm>> -> memref<64xi32, #tpu.memory_space<hbm>>
      tpu.wait_dma2 semaphore(%run_scoped3A : memref<!tpu.dma_semaphore, #tpu.memory_space<semaphore_mem>>) src(%dma_wait3A_22 : memref<64xi32, #tpu.memory_space<hbm>>) dst(%arg5 : memref<64xi32, #tpu.memory_space<vmem>>)
      tpu.yield
    }) : () -> ()
    %dma_start3A_13 = arith.constant 0 : i32
    %dma_start3A_14 = arith.constant 0 : i32
    %dma_start3A_15 = tpu.memref_slice %arg2[%dma_start3A_13, %dma_start3A_14] : memref<4096x1024xf32, #tpu.memory_space<hbm>> -> memref<4096x1024xf32, #tpu.memory_space<hbm>>
    tpu.enqueue_indirect_dma source(%dma_start3A_15 : memref<4096x1024xf32, #tpu.memory_space<hbm>>) target(%arg6 : memref<64x1024xf32, #tpu.memory_space<vmem>>) offsets(%arg5 : memref<64xi32, #tpu.memory_space<vmem>>) semaphore(%arg7 : memref<!tpu.dma_semaphore, #tpu.memory_space<semaphore_mem>>)
    %dma_wait3A_16 = arith.constant 0 : i32
    %dma_wait3A_17 = arith.constant 0 : i32
    %dma_wait3A_18 = tpu.memref_slice %arg2[%dma_wait3A_16, %dma_wait3A_17] : memref<4096x1024xf32, #tpu.memory_space<hbm>> -> memref<4096x1024xf32, #tpu.memory_space<hbm>>
    tpu.wait_indirect_dma semaphore(%arg7 : memref<!tpu.dma_semaphore, #tpu.memory_space<semaphore_mem>>) src(%dma_wait3A_18 : memref<4096x1024xf32, #tpu.memory_space<hbm>>) dst(%arg6 : memref<64x1024xf32, #tpu.memory_space<vmem>>)
    "tpu.region"() ({
      %run_scoped3A = tpu.sem_alloc : memref<!tpu.dma_semaphore, #tpu.memory_space<semaphore_mem>>
      %dma_start3A_19 = arith.constant 0 : i32
      %dma_start3A_20 = tpu.memref_slice %arg4[%add3A_12, %dma_start3A_19] : memref<4096x1024xf32, #tpu.memory_space<hbm>> -> memref<64x1024xf32, #tpu.memory_space<hbm>>
      %dma_start3A_21 = arith.constant 0 : i32
      %dma_start3A_22 = tpu.memref_slice %arg4[%add3A_12, %dma_start3A_21] : memref<4096x1024xf32, #tpu.memory_space<hbm>> -> memref<64x1024xf32, #tpu.memory_space<hbm>>
      tpu.enqueue_dma source(%arg6 : memref<64x1024xf32, #tpu.memory_space<vmem>>) target(%dma_start3A_22 : memref<64x1024xf32, #tpu.memory_space<hbm>>) target_semaphore(%run_scoped3A : memref<!tpu.dma_semaphore, #tpu.memory_space<semaphore_mem>>)
      %dma_wait3A_23 = arith.constant 0 : i32
      %dma_wait3A_24 = tpu.memref_slice %arg4[%add3A_12, %dma_wait3A_23] : memref<4096x1024xf32, #tpu.memory_space<hbm>> -> memref<64x1024xf32, #tpu.memory_space<hbm>>
      %dma_wait3A_25 = arith.constant 0 : i32
      %dma_wait3A_26 = tpu.memref_slice %arg4[%add3A_12, %dma_wait3A_25] : memref<4096x1024xf32, #tpu.memory_space<hbm>> -> memref<64x1024xf32, #tpu.memory_space<hbm>>
      tpu.wait_dma2 semaphore(%run_scoped3A : memref<!tpu.dma_semaphore, #tpu.memory_space<semaphore_mem>>) src(%arg6 : memref<64x1024xf32, #tpu.memory_space<vmem>>) dst(%dma_wait3A_26 : memref<64x1024xf32, #tpu.memory_space<hbm>>)
      tpu.yield
    }) : () -> ()
    return
  }
}

module attributes {stable_mosaic.version = 14 : i64} {
  func.func @_router_body(%arg0: memref<8x1024xf32, #tpu.memory_space<vmem>>, %arg1: memref<4096x1024xf32, #tpu.memory_space<vmem>>, %arg2: memref<8x4096xf32, #tpu.memory_space<vmem>>, %arg3: memref<8x4096xi32, #tpu.memory_space<vmem>>) attributes {dimension_semantics = [], scalar_prefetch = 0 : i64, scratch_operands = 0 : i64, tpu.core_type = #tpu.core_type<tc>} {
    %get3A = arith.constant 0 : index
    %get3A_0 = arith.constant 0 : index
    %get3A_1 = vector.load %arg0[%get3A, %get3A_0] : memref<8x1024xf32, #tpu.memory_space<vmem>>, vector<8x1024xf32>
    %get3A_2 = arith.constant 0 : index
    %get3A_3 = arith.constant 0 : index
    %get3A_4 = vector.load %arg1[%get3A_2, %get3A_3] : memref<4096x1024xf32, #tpu.memory_space<vmem>>, vector<4096x1024xf32>
    %dot_general3A = arith.constant dense<0.000000e+00> : vector<8x4096xf32>
    %dot_general3A_5 = tpu.matmul %get3A_1, %get3A_4, %dot_general3A {dimension_numbers = #tpu.dot_dimension_numbers<[1], [1], [0], [0], [0, 0, 1, 0], [], []>, transpose_lhs_hint = false} : vector<8x1024xf32>, vector<4096x1024xf32>, vector<8x4096xf32> -> vector<8x4096xf32>
    %reduce_max3A = arith.constant dense<0xFF800000> : vector<8xf32>
    %reduce_max3A_6 = vector.multi_reduction <maximumf>, %dot_general3A_5, %reduce_max3A [1] : vector<8x4096xf32> to vector<8xf32>
    %broadcast_in_dim3A = vector.shape_cast %reduce_max3A_6 : vector<8xf32> to vector<8x1xf32>
    %sub3A = vector.broadcast %broadcast_in_dim3A : vector<8x1xf32> to vector<8x4096xf32>
    %sub3A_7 = arith.subf %dot_general3A_5, %sub3A : vector<8x4096xf32>
    %exp3A = math.exp %sub3A_7 : vector<8x4096xf32>
    %reduce_sum3A = arith.constant dense<0.000000e+00> : vector<8xf32>
    %reduce_sum3A_8 = vector.multi_reduction <add>, %exp3A, %reduce_sum3A [1] : vector<8x4096xf32> to vector<8xf32>
    %broadcast_in_dim3A_9 = vector.shape_cast %reduce_sum3A_8 : vector<8xf32> to vector<8x1xf32>
    %div3A = vector.broadcast %broadcast_in_dim3A_9 : vector<8x1xf32> to vector<8x4096xf32>
    %div3A_10 = arith.divf %exp3A, %div3A : vector<8x4096xf32>
    %swap3A = arith.constant 0 : index
    %swap3A_11 = arith.constant 0 : index
    %swap3A_12 = vector.load %arg2[%swap3A, %swap3A_11] : memref<8x4096xf32, #tpu.memory_space<vmem>>, vector<8x4096xf32>
    tpu.vector_store %arg2[%swap3A, %swap3A_11], %div3A_10 {strides = array<i32>} : memref<8x4096xf32, #tpu.memory_space<vmem>>, vector<8x4096xf32>,
    %bitcast_convert_type3A = tpu.bitcast %div3A_10 : vector<8x4096xf32> -> vector<8x4096xi32>
    %broadcast_in_dim3A_13 = arith.constant 0 : i32
    %broadcast_in_dim3A_14 = vector.broadcast %broadcast_in_dim3A_13 : i32 to vector<8x1xi32>
    %broadcast_in_dim3A_15 = arith.constant 2139095040 : i32
    %broadcast_in_dim3A_16 = vector.broadcast %broadcast_in_dim3A_15 : i32 to vector<8x1xi32>
    %scan3A = arith.constant 0 : i32
    %scan3A_17 = arith.constant 31 : i32
    %scan3A_18 = arith.addi %scan3A, %scan3A_17 : i32
    %scan3A_19 = arith.constant 1 : i32
    %scan3A_20:2 = scf.for %scan3A_117 = %scan3A to %scan3A_18 step %scan3A_19 iter_args(%scan3A_118 = %broadcast_in_dim3A_14, %scan3A_119 = %broadcast_in_dim3A_16) -> (vector<8x1xi32>, vector<8x1xi32>)  : i32 {
      %sub3A_120 = arith.subi %scan3A_119, %scan3A_118 : vector<8x1xi32>
      %shift_right_arithmetic3A_121 = arith.constant 1 : i32
      %shift_right_arithmetic3A_122 = vector.broadcast %shift_right_arithmetic3A_121 : i32 to vector<8x1xi32>
      %shift_right_arithmetic3A_123 = arith.shrsi %sub3A_120, %shift_right_arithmetic3A_122 : vector<8x1xi32>
      %add3A_124 = arith.addi %scan3A_118, %shift_right_arithmetic3A_123 : vector<8x1xi32>
      %ge3A_125 = vector.broadcast %add3A_124 : vector<8x1xi32> to vector<8x4096xi32>
      %ge3A_126 = arith.cmpi sge, %bitcast_convert_type3A, %ge3A_125 : vector<8x4096xi32>
      %convert_element_type3A_127 = arith.extui %ge3A_126 : vector<8x4096xi1> to vector<8x4096xi32>
      %reduce_sum3A_128 = arith.constant dense<0> : vector<8xi32>
      %reduce_sum3A_129 = vector.multi_reduction <add>, %convert_element_type3A_127, %reduce_sum3A_128 [1] : vector<8x4096xi32> to vector<8xi32>
      %broadcast_in_dim3A_130 = vector.shape_cast %reduce_sum3A_129 : vector<8xi32> to vector<8x1xi32>
      %ge3A_131 = arith.constant 512 : i32
      %ge3A_132 = vector.broadcast %ge3A_131 : i32 to vector<8x1xi32>
      %ge3A_133 = arith.cmpi sge, %broadcast_in_dim3A_130, %ge3A_132 : vector<8x1xi32>
      %select_n3A_134 = arith.select %ge3A_133, %add3A_124, %scan3A_118 : vector<8x1xi1>, vector<8x1xi32>
      %select_n3A_135 = arith.select %ge3A_133, %scan3A_119, %add3A_124 : vector<8x1xi1>, vector<8x1xi32>
      scf.yield %select_n3A_134, %select_n3A_135 : vector<8x1xi32>, vector<8x1xi32>
    }
    %gt3A = vector.broadcast %scan3A_20#0 : vector<8x1xi32> to vector<8x4096xi32>
    %gt3A_21 = arith.cmpi sgt, %bitcast_convert_type3A, %gt3A : vector<8x4096xi32>
    %eq3A = vector.broadcast %scan3A_20#0 : vector<8x1xi32> to vector<8x4096xi32>
    %eq3A_22 = arith.cmpi eq, %bitcast_convert_type3A, %eq3A : vector<8x4096xi32>
    %convert_element_type3A = arith.extui %gt3A_21 : vector<8x4096xi1> to vector<8x4096xi32>
    %convert_element_type3A_23 = arith.sitofp %convert_element_type3A : vector<8x4096xi32> to vector<8x4096xf32>
    %convert_element_type3A_24 = arith.extui %eq3A_22 : vector<8x4096xi1> to vector<8x4096xi32>
    %convert_element_type3A_25 = arith.sitofp %convert_element_type3A_24 : vector<8x4096xi32> to vector<8x4096xf32>
    %concatenate3A = tpu.concatenate %convert_element_type3A_23, %convert_element_type3A_25 in 0 : vector<8x4096xf32>, vector<8x4096xf32> -> vector<16x4096xf32>
    %iota3A = tpu.iota {dimensions = array<i32: 1>} : vector<16x4096xi32>
    %and3A = arith.constant 15 : i32
    %and3A_26 = vector.broadcast %and3A : i32 to vector<16x4096xi32>
    %and3A_27 = arith.andi %iota3A, %and3A_26 : vector<16x4096xi32>
    %broadcast_in_dim3A_28 = arith.constant 0.000000e+00 : f32
    %broadcast_in_dim3A_29 = vector.broadcast %broadcast_in_dim3A_28 : f32 to vector<16x1xf32>
    %slice3A = vector.extract_strided_slice %concatenate3A {offsets = [0, 0], sizes = [16, 4095], strides = [1, 1]} : vector<16x4096xf32> to vector<16x4095xf32>
    %concatenate3A_30 = tpu.concatenate %broadcast_in_dim3A_29, %slice3A in 1 : vector<16x1xf32>, vector<16x4095xf32> -> vector<16x4096xf32>
    %ge3A = arith.constant 1 : i32
    %ge3A_31 = vector.broadcast %ge3A : i32 to vector<16x4096xi32>
    %ge3A_32 = arith.cmpi sge, %and3A_27, %ge3A_31 : vector<16x4096xi32>
    %jit3A = arith.constant 0.000000e+00 : f32
    %broadcast_in_dim3A_33 = vector.broadcast %jit3A : f32 to vector<16x4096xf32>
    %select_n3A = arith.select %ge3A_32, %concatenate3A_30, %broadcast_in_dim3A_33 : vector<16x4096xi1>, vector<16x4096xf32>
    %add3A = arith.addf %concatenate3A, %select_n3A : vector<16x4096xf32>
    %broadcast_in_dim3A_34 = arith.constant 0.000000e+00 : f32
    %broadcast_in_dim3A_35 = vector.broadcast %broadcast_in_dim3A_34 : f32 to vector<16x2xf32>
    %slice3A_36 = vector.extract_strided_slice %add3A {offsets = [0, 0], sizes = [16, 4094], strides = [1, 1]} : vector<16x4096xf32> to vector<16x4094xf32>
    %concatenate3A_37 = tpu.concatenate %broadcast_in_dim3A_35, %slice3A_36 in 1 : vector<16x2xf32>, vector<16x4094xf32> -> vector<16x4096xf32>
    %ge3A_38 = arith.constant 2 : i32
    %ge3A_39 = vector.broadcast %ge3A_38 : i32 to vector<16x4096xi32>
    %ge3A_40 = arith.cmpi sge, %and3A_27, %ge3A_39 : vector<16x4096xi32>
    %jit3A_41 = arith.constant 0.000000e+00 : f32
    %broadcast_in_dim3A_42 = vector.broadcast %jit3A_41 : f32 to vector<16x4096xf32>
    %select_n3A_43 = arith.select %ge3A_40, %concatenate3A_37, %broadcast_in_dim3A_42 : vector<16x4096xi1>, vector<16x4096xf32>
    %add3A_44 = arith.addf %add3A, %select_n3A_43 : vector<16x4096xf32>
    %broadcast_in_dim3A_45 = arith.constant 0.000000e+00 : f32
    %broadcast_in_dim3A_46 = vector.broadcast %broadcast_in_dim3A_45 : f32 to vector<16x4xf32>
    %slice3A_47 = vector.extract_strided_slice %add3A_44 {offsets = [0, 0], sizes = [16, 4092], strides = [1, 1]} : vector<16x4096xf32> to vector<16x4092xf32>
    %concatenate3A_48 = tpu.concatenate %broadcast_in_dim3A_46, %slice3A_47 in 1 : vector<16x4xf32>, vector<16x4092xf32> -> vector<16x4096xf32>
    %ge3A_49 = arith.constant 4 : i32
    %ge3A_50 = vector.broadcast %ge3A_49 : i32 to vector<16x4096xi32>
    %ge3A_51 = arith.cmpi sge, %and3A_27, %ge3A_50 : vector<16x4096xi32>
    %jit3A_52 = arith.constant 0.000000e+00 : f32
    %broadcast_in_dim3A_53 = vector.broadcast %jit3A_52 : f32 to vector<16x4096xf32>
    %select_n3A_54 = arith.select %ge3A_51, %concatenate3A_48, %broadcast_in_dim3A_53 : vector<16x4096xi1>, vector<16x4096xf32>
    %add3A_55 = arith.addf %add3A_44, %select_n3A_54 : vector<16x4096xf32>
    %broadcast_in_dim3A_56 = arith.constant 0.000000e+00 : f32
    %broadcast_in_dim3A_57 = vector.broadcast %broadcast_in_dim3A_56 : f32 to vector<16x8xf32>
    %slice3A_58 = vector.extract_strided_slice %add3A_55 {offsets = [0, 0], sizes = [16, 4088], strides = [1, 1]} : vector<16x4096xf32> to vector<16x4088xf32>
    %concatenate3A_59 = tpu.concatenate %broadcast_in_dim3A_57, %slice3A_58 in 1 : vector<16x8xf32>, vector<16x4088xf32> -> vector<16x4096xf32>
    %ge3A_60 = arith.constant 8 : i32
    %ge3A_61 = vector.broadcast %ge3A_60 : i32 to vector<16x4096xi32>
    %ge3A_62 = arith.cmpi sge, %and3A_27, %ge3A_61 : vector<16x4096xi32>
    %jit3A_63 = arith.constant 0.000000e+00 : f32
    %broadcast_in_dim3A_64 = vector.broadcast %jit3A_63 : f32 to vector<16x4096xf32>
    %select_n3A_65 = arith.select %ge3A_62, %concatenate3A_59, %broadcast_in_dim3A_64 : vector<16x4096xi1>, vector<16x4096xf32>
    %add3A_66 = arith.addf %add3A_55, %select_n3A_65 : vector<16x4096xf32>
    %sub3A_67 = arith.subf %add3A_66, %concatenate3A : vector<16x4096xf32>
    %iota3A_68 = tpu.iota {dimensions = array<i32: 0>} : vector<4096x256xi32>
    %iota3A_69 = tpu.iota {dimensions = array<i32: 1>} : vector<4096x256xi32>
    %shift_right_arithmetic3A = arith.constant 4 : i32
    %shift_right_arithmetic3A_70 = vector.broadcast %shift_right_arithmetic3A : i32 to vector<4096x256xi32>
    %shift_right_arithmetic3A_71 = arith.shrsi %iota3A_68, %shift_right_arithmetic3A_70 : vector<4096x256xi32>
    %eq3A_72 = arith.cmpi eq, %shift_right_arithmetic3A_71, %iota3A_69 : vector<4096x256xi32>
    %convert_element_type3A_73 = arith.extui %eq3A_72 : vector<4096x256xi1> to vector<4096x256xi32>
    %convert_element_type3A_74 = arith.sitofp %convert_element_type3A_73 : vector<4096x256xi32> to vector<4096x256xf32>
    %dot_general3A_75 = arith.constant dense<0.000000e+00> : vector<16x256xf32>
    %dot_general3A_76 = tpu.matmul %concatenate3A, %convert_element_type3A_74, %dot_general3A_75 {dimension_numbers = #tpu.dot_dimension_numbers<[1], [0], [0], [1], [0, 0, 1, 1], [], []>, precision = #tpu.contract_precision<fp32>, transpose_lhs_hint = false} : vector<16x4096xf32>, vector<4096x256xf32>, vector<16x256xf32> -> vector<16x256xf32>
    %iota3A_77 = tpu.iota {dimensions = array<i32: 0>} : vector<256x256xi32>
    %iota3A_78 = tpu.iota {dimensions = array<i32: 1>} : vector<256x256xi32>
    %lt3A = arith.cmpi slt, %iota3A_77, %iota3A_78 : vector<256x256xi32>
    %convert_element_type3A_79 = arith.extui %lt3A : vector<256x256xi1> to vector<256x256xi32>
    %convert_element_type3A_80 = arith.sitofp %convert_element_type3A_79 : vector<256x256xi32> to vector<256x256xf32>
    %dot_general3A_81 = arith.constant dense<0.000000e+00> : vector<16x256xf32>
    %dot_general3A_82 = tpu.matmul %dot_general3A_76, %convert_element_type3A_80, %dot_general3A_81 {dimension_numbers = #tpu.dot_dimension_numbers<[1], [0], [0], [1], [0, 0, 1, 1], [], []>, precision = #tpu.contract_precision<fp32>, transpose_lhs_hint = false} : vector<16x256xf32>, vector<256x256xf32>, vector<16x256xf32> -> vector<16x256xf32>
    %iota3A_83 = tpu.iota {dimensions = array<i32: 0>} : vector<256x4096xi32>
    %iota3A_84 = tpu.iota {dimensions = array<i32: 1>} : vector<256x4096xi32>
    %shift_right_arithmetic3A_85 = arith.constant 4 : i32
    %shift_right_arithmetic3A_86 = vector.broadcast %shift_right_arithmetic3A_85 : i32 to vector<256x4096xi32>
    %shift_right_arithmetic3A_87 = arith.shrsi %iota3A_84, %shift_right_arithmetic3A_86 : vector<256x4096xi32>
    %eq3A_88 = arith.cmpi eq, %iota3A_83, %shift_right_arithmetic3A_87 : vector<256x4096xi32>
    %convert_element_type3A_89 = arith.extui %eq3A_88 : vector<256x4096xi1> to vector<256x4096xi32>
    %convert_element_type3A_90 = arith.sitofp %convert_element_type3A_89 : vector<256x4096xi32> to vector<256x4096xf32>
    %dot_general3A_91 = arith.constant dense<0.000000e+00> : vector<16x4096xf32>
    %dot_general3A_92 = tpu.matmul %dot_general3A_82, %convert_element_type3A_90, %dot_general3A_91 {dimension_numbers = #tpu.dot_dimension_numbers<[1], [0], [0], [1], [0, 0, 1, 1], [], []>, precision = #tpu.contract_precision<fp32>, transpose_lhs_hint = false} : vector<16x256xf32>, vector<256x4096xf32>, vector<16x4096xf32> -> vector<16x4096xf32>
    %add3A_93 = arith.addf %dot_general3A_92, %sub3A_67 : vector<16x4096xf32>
    %slice3A_94 = vector.extract_strided_slice %add3A_93 {offsets = [0, 0], sizes = [8, 4096], strides = [1, 1]} : vector<16x4096xf32> to vector<8x4096xf32>
    %reduce_sum3A_95 = arith.constant dense<0.000000e+00> : vector<8xf32>
    %reduce_sum3A_96 = vector.multi_reduction <add>, %convert_element_type3A_23, %reduce_sum3A_95 [1] : vector<8x4096xf32> to vector<8xf32>
    %broadcast_in_dim3A_97 = vector.shape_cast %reduce_sum3A_96 : vector<8xf32> to vector<8x1xf32>
    %slice3A_98 = vector.extract_strided_slice %add3A_93 {offsets = [8, 0], sizes = [8, 4096], strides = [1, 1]} : vector<16x4096xf32> to vector<8x4096xf32>
    %add3A_99 = vector.broadcast %broadcast_in_dim3A_97 : vector<8x1xf32> to vector<8x4096xf32>
    %add3A_100 = arith.addf %add3A_99, %slice3A_98 : vector<8x4096xf32>
    %jit3A_101 = arith.constant 5.120000e+02 : f32
    %broadcast_in_dim3A_102 = vector.broadcast %jit3A_101 : f32 to vector<8x4096xf32>
    %select_n3A_103 = arith.select %eq3A_22, %add3A_100, %broadcast_in_dim3A_102 : vector<8x4096xi1>, vector<8x4096xf32>
    %select_n3A_104 = arith.select %gt3A_21, %slice3A_94, %select_n3A_103 : vector<8x4096xi1>, vector<8x4096xf32>
    %min3A = arith.constant 5.120000e+02 : f32
    %min3A_105 = vector.broadcast %min3A : f32 to vector<8x4096xf32>
    %min3A_106 = arith.minimumf %select_n3A_104, %min3A_105 : vector<8x4096xf32>
    %iota3A_107 = tpu.iota {dimensions = array<i32: 0>} : vector<8x1xi32>
    %convert_element_type3A_108 = arith.sitofp %iota3A_107 : vector<8x1xi32> to vector<8x1xf32>
    %mul3A = arith.constant 5.280000e+02 : f32
    %mul3A_109 = vector.broadcast %mul3A : f32 to vector<8x1xf32>
    %mul3A_110 = arith.mulf %convert_element_type3A_108, %mul3A_109 : vector<8x1xf32>
    %add3A_111 = vector.broadcast %mul3A_110 : vector<8x1xf32> to vector<8x4096xf32>
    %add3A_112 = arith.addf %min3A_106, %add3A_111 : vector<8x4096xf32>
    %convert_element_type3A_113 = arith.fptosi %add3A_112 : vector<8x4096xf32> to vector<8x4096xi32>
    %swap3A_114 = arith.constant 0 : index
    %swap3A_115 = arith.constant 0 : index
    %swap3A_116 = vector.load %arg3[%swap3A_114, %swap3A_115] : memref<8x4096xi32, #tpu.memory_space<vmem>>, vector<8x4096xi32>
    tpu.vector_store %arg3[%swap3A_114, %swap3A_115], %convert_element_type3A_113 {strides = array<i32>} : memref<8x4096xi32, #tpu.memory_space<vmem>>, vector<8x4096xi32>,
    return
  }
}

module attributes {stable_mosaic.version = 14 : i64} {
  func.func @_combine_body(%arg0: i32, %arg1: memref<8x1x528xi32, #tpu.memory_space<vmem>>, %arg2: memref<4224x1024xbf16, #tpu.memory_space<vmem>>, %arg3: memref<512x1024xf32, #tpu.memory_space<vmem>>) attributes {dimension_semantics = [#tpu.dimension_semantics<arbitrary>], iteration_bounds = array<i64: 8>, scalar_prefetch = 0 : i64, scratch_operands = 0 : i64, tpu.core_type = #tpu.core_type<tc>, window_params = [{pipeline_mode = #tpu.pipeline_mode<synchronous>, transform_indices = @transform_0, window_bounds = array<i64: 8, 1, 528>}, {pipeline_mode = #tpu.pipeline_mode<synchronous>, transform_indices = @transform_1, window_bounds = array<i64: 4224, 1024>}, {transform_indices = @transform_2, window_bounds = array<i64: 512, 1024>}]} {
    %get3A = arith.constant 0 : index
    %get3A_0 = arith.constant 0 : index
    %get3A_1 = arith.constant 0 : index
    %get3A_2 = vector.load %arg1[%get3A, %get3A_0, %get3A_1] : memref<8x1x528xi32, #tpu.memory_space<vmem>>, vector<1x1x528xi32>
    %get3A_3 = vector.shape_cast %get3A_2 : vector<1x1x528xi32> to vector<1x528xi32>
    %get3A_4 = arith.constant 1 : index
    %get3A_5 = arith.constant 0 : index
    %get3A_6 = arith.constant 0 : index
    %get3A_7 = vector.load %arg1[%get3A_4, %get3A_5, %get3A_6] : memref<8x1x528xi32, #tpu.memory_space<vmem>>, vector<1x1x528xi32>
    %get3A_8 = vector.shape_cast %get3A_7 : vector<1x1x528xi32> to vector<1x528xi32>
    %get3A_9 = arith.constant 2 : index
    %get3A_10 = arith.constant 0 : index
    %get3A_11 = arith.constant 0 : index
    %get3A_12 = vector.load %arg1[%get3A_9, %get3A_10, %get3A_11] : memref<8x1x528xi32, #tpu.memory_space<vmem>>, vector<1x1x528xi32>
    %get3A_13 = vector.shape_cast %get3A_12 : vector<1x1x528xi32> to vector<1x528xi32>
    %get3A_14 = arith.constant 3 : index
    %get3A_15 = arith.constant 0 : index
    %get3A_16 = arith.constant 0 : index
    %get3A_17 = vector.load %arg1[%get3A_14, %get3A_15, %get3A_16] : memref<8x1x528xi32, #tpu.memory_space<vmem>>, vector<1x1x528xi32>
    %get3A_18 = vector.shape_cast %get3A_17 : vector<1x1x528xi32> to vector<1x528xi32>
    %get3A_19 = arith.constant 4 : index
    %get3A_20 = arith.constant 0 : index
    %get3A_21 = arith.constant 0 : index
    %get3A_22 = vector.load %arg1[%get3A_19, %get3A_20, %get3A_21] : memref<8x1x528xi32, #tpu.memory_space<vmem>>, vector<1x1x528xi32>
    %get3A_23 = vector.shape_cast %get3A_22 : vector<1x1x528xi32> to vector<1x528xi32>
    %get3A_24 = arith.constant 5 : index
    %get3A_25 = arith.constant 0 : index
    %get3A_26 = arith.constant 0 : index
    %get3A_27 = vector.load %arg1[%get3A_24, %get3A_25, %get3A_26] : memref<8x1x528xi32, #tpu.memory_space<vmem>>, vector<1x1x528xi32>
    %get3A_28 = vector.shape_cast %get3A_27 : vector<1x1x528xi32> to vector<1x528xi32>
    %get3A_29 = arith.constant 6 : index
    %get3A_30 = arith.constant 0 : index
    %get3A_31 = arith.constant 0 : index
    %get3A_32 = vector.load %arg1[%get3A_29, %get3A_30, %get3A_31] : memref<8x1x528xi32, #tpu.memory_space<vmem>>, vector<1x1x528xi32>
    %get3A_33 = vector.shape_cast %get3A_32 : vector<1x1x528xi32> to vector<1x528xi32>
    %get3A_34 = arith.constant 7 : index
    %get3A_35 = arith.constant 0 : index
    %get3A_36 = arith.constant 0 : index
    %get3A_37 = vector.load %arg1[%get3A_34, %get3A_35, %get3A_36] : memref<8x1x528xi32, #tpu.memory_space<vmem>>, vector<1x1x528xi32>
    %get3A_38 = vector.shape_cast %get3A_37 : vector<1x1x528xi32> to vector<1x528xi32>
    %concatenate3A = tpu.concatenate %get3A_3, %get3A_8, %get3A_13, %get3A_18, %get3A_23, %get3A_28, %get3A_33, %get3A_38 in 1 : vector<1x528xi32>, vector<1x528xi32>, vector<1x528xi32>, vector<1x528xi32>, vector<1x528xi32>, vector<1x528xi32>, vector<1x528xi32>, vector<1x528xi32> -> vector<1x4224xi32>
    %iota3A = tpu.iota {dimensions = array<i32: 0>} : vector<512x1xi32>
    %mul3A = arith.constant 512 : i32
    %mul3A_39 = arith.muli %arg0, %mul3A : i32
    %add3A = vector.broadcast %mul3A_39 : i32 to vector<512x1xi32>
    %add3A_40 = arith.addi %iota3A, %add3A : vector<512x1xi32>
    %eq3A = vector.broadcast %add3A_40 : vector<512x1xi32> to vector<512x4224xi32>
    %eq3A_41 = vector.broadcast %concatenate3A : vector<1x4224xi32> to vector<512x4224xi32>
    %eq3A_42 = arith.cmpi eq, %eq3A, %eq3A_41 : vector<512x4224xi32>
    %convert_element_type3A = arith.extui %eq3A_42 : vector<512x4224xi1> to vector<512x4224xi32>
    %convert_element_type3A_43 = arith.sitofp %convert_element_type3A : vector<512x4224xi32> to vector<512x4224xf32>
    %convert_element_type3A_44 = arith.truncf %convert_element_type3A_43 : vector<512x4224xf32> to vector<512x4224xbf16>
    %get3A_45 = arith.constant 0 : index
    %get3A_46 = arith.constant 0 : index
    %get3A_47 = vector.load %arg2[%get3A_45, %get3A_46] : memref<4224x1024xbf16, #tpu.memory_space<vmem>>, vector<4224x1024xbf16>
    %dot_general3A = arith.constant dense<0.000000e+00> : vector<512x1024xf32>
    %dot_general3A_48 = tpu.matmul %convert_element_type3A_44, %get3A_47, %dot_general3A {dimension_numbers = #tpu.dot_dimension_numbers<[1], [0], [0], [1], [0, 0, 1, 1], [], []>, transpose_lhs_hint = false} : vector<512x4224xbf16>, vector<4224x1024xbf16>, vector<512x1024xf32> -> vector<512x1024xf32>
    %swap3A = arith.constant 0 : index
    %swap3A_49 = arith.constant 0 : index
    %swap3A_50 = vector.load %arg3[%swap3A, %swap3A_49] : memref<512x1024xf32, #tpu.memory_space<vmem>>, vector<512x1024xf32>
    tpu.vector_store %arg3[%swap3A, %swap3A_49], %dot_general3A_48 {strides = array<i32>} : memref<512x1024xf32, #tpu.memory_space<vmem>>, vector<512x1024xf32>,
    return
  }
  func.func @transform_0(%arg0: i32) -> (i32, i32, i32) {
    %c0_i32 = arith.constant 0 : i32
    %c0_i32_0 = arith.constant 0 : i32
    %c0_i32_1 = arith.constant 0 : i32
    %c0_i32_2 = arith.constant 0 : i32
    return %c0_i32, %c0_i32_0, %c0_i32_1 : i32, i32, i32
  }
  func.func @transform_1(%arg0: i32) -> (i32, i32) {
    %c0_i32 = arith.constant 0 : i32
    %c0_i32_0 = arith.constant 0 : i32
    %c0_i32_1 = arith.constant 0 : i32
    return %c0_i32, %c0_i32_0 : i32, i32
  }
  func.func @transform_2(%arg0: i32) -> (i32, i32) {
    %c0_i32 = arith.constant 0 : i32
    %c0_i32_0 = arith.constant 0 : i32
    return %arg0, %c0_i32 : i32, i32
  }
}

module attributes {stable_mosaic.version = 14 : i64} {
  func.func @_ffn_body(%arg0: i32, %arg1: i32, %arg2: memref<1x512x1024xf32, #tpu.memory_space<vmem>>, %arg3: memref<1x1024x1024xf32, #tpu.memory_space<vmem>>, %arg4: memref<1x1x1024xf32, #tpu.memory_space<vmem>>, %arg5: memref<1x1024x1024xf32, #tpu.memory_space<vmem>>, %arg6: memref<1x1x1024xf32, #tpu.memory_space<vmem>>, %arg7: memref<1x512x1xf32, #tpu.memory_space<vmem>>, %arg8: memref<528x1024xbf16, #tpu.memory_space<vmem>>, %arg9: memref<512x1024xf32, #tpu.memory_space<vmem>>) attributes {dimension_semantics = [#tpu.dimension_semantics<arbitrary>, #tpu.dimension_semantics<arbitrary>], iteration_bounds = array<i64: 8, 4>, scalar_prefetch = 0 : i64, scratch_operands = 1 : i64, tpu.core_type = #tpu.core_type<tc>, window_params = [{transform_indices = @transform_0, window_bounds = array<i64: 1, 512, 1024>}, {transform_indices = @transform_1, window_bounds = array<i64: 1, 1024, 1024>}, {transform_indices = @transform_2, window_bounds = array<i64: 1, 1, 1024>}, {transform_indices = @transform_3, window_bounds = array<i64: 1, 1024, 1024>}, {transform_indices = @transform_4, window_bounds = array<i64: 1, 1, 1024>}, {transform_indices = @transform_5, window_bounds = array<i64: 1, 512, 1>}, {transform_indices = @transform_6, window_bounds = array<i64: 528, 1024>}]} {
    %get3A = arith.constant 0 : index
    %get3A_0 = arith.constant 0 : index
    %get3A_1 = arith.constant 0 : index
    %get3A_2 = vector.load %arg2[%get3A, %get3A_0, %get3A_1] : memref<1x512x1024xf32, #tpu.memory_space<vmem>>, vector<1x512x1024xf32>
    %get3A_3 = vector.shape_cast %get3A_2 : vector<1x512x1024xf32> to vector<512x1024xf32>
    %convert_element_type3A = arith.truncf %get3A_3 : vector<512x1024xf32> to vector<512x1024xbf16>
    %get3A_4 = arith.constant 0 : index
    %get3A_5 = arith.constant 0 : index
    %get3A_6 = arith.constant 0 : index
    %get3A_7 = vector.load %arg3[%get3A_4, %get3A_5, %get3A_6] : memref<1x1024x1024xf32, #tpu.memory_space<vmem>>, vector<1x1024x1024xf32>
    %get3A_8 = vector.shape_cast %get3A_7 : vector<1x1024x1024xf32> to vector<1024x1024xf32>
    %convert_element_type3A_9 = arith.truncf %get3A_8 : vector<1024x1024xf32> to vector<1024x1024xbf16>
    %dot_general3A = arith.constant dense<0.000000e+00> : vector<512x1024xf32>
    %dot_general3A_10 = tpu.matmul %convert_element_type3A, %convert_element_type3A_9, %dot_general3A {dimension_numbers = #tpu.dot_dimension_numbers<[1], [1], [0], [0], [0, 0, 1, 0], [], []>, transpose_lhs_hint = false} : vector<512x1024xbf16>, vector<1024x1024xbf16>, vector<512x1024xf32> -> vector<512x1024xf32>
    %get3A_11 = arith.constant 0 : index
    %get3A_12 = arith.constant 0 : index
    %get3A_13 = arith.constant 0 : index
    %get3A_14 = vector.load %arg4[%get3A_11, %get3A_12, %get3A_13] : memref<1x1x1024xf32, #tpu.memory_space<vmem>>, vector<1x1x1024xf32>
    %get3A_15 = vector.shape_cast %get3A_14 : vector<1x1x1024xf32> to vector<1x1024xf32>
    %add3A = vector.broadcast %get3A_15 : vector<1x1024xf32> to vector<512x1024xf32>
    %add3A_16 = arith.addf %dot_general3A_10, %add3A : vector<512x1024xf32>
    %mul3A = arith.constant 5.000000e-01 : f32
    %mul3A_17 = vector.broadcast %mul3A : f32 to vector<512x1024xf32>
    %mul3A_18 = arith.mulf %add3A_16, %mul3A_17 : vector<512x1024xf32>
    %mul3A_19 = arith.constant 0.707106769 : f32
    %mul3A_20 = vector.broadcast %mul3A_19 : f32 to vector<512x1024xf32>
    %mul3A_21 = arith.mulf %add3A_16, %mul3A_20 : vector<512x1024xf32>
    %erf3A = math.erf %mul3A_21 : vector<512x1024xf32>
    %add3A_22 = arith.constant 1.000000e+00 : f32
    %add3A_23 = vector.broadcast %add3A_22 : f32 to vector<512x1024xf32>
    %add3A_24 = arith.addf %add3A_23, %erf3A : vector<512x1024xf32>
    %mul3A_25 = arith.mulf %mul3A_18, %add3A_24 : vector<512x1024xf32>
    %get3A_26 = arith.constant 0 : index
    %get3A_27 = arith.constant 0 : index
    %get3A_28 = arith.constant 0 : index
    %get3A_29 = vector.load %arg5[%get3A_26, %get3A_27, %get3A_28] : memref<1x1024x1024xf32, #tpu.memory_space<vmem>>, vector<1x1024x1024xf32>
    %get3A_30 = vector.shape_cast %get3A_29 : vector<1x1024x1024xf32> to vector<1024x1024xf32>
    %convert_element_type3A_31 = arith.truncf %get3A_30 : vector<1024x1024xf32> to vector<1024x1024xbf16>
    %convert_element_type3A_32 = arith.truncf %mul3A_25 : vector<512x1024xf32> to vector<512x1024xbf16>
    %dot_general3A_33 = arith.constant dense<0.000000e+00> : vector<512x1024xf32>
    %dot_general3A_34 = tpu.matmul %convert_element_type3A_32, %convert_element_type3A_31, %dot_general3A_33 {dimension_numbers = #tpu.dot_dimension_numbers<[1], [1], [0], [0], [0, 0, 1, 0], [], []>, transpose_lhs_hint = false} : vector<512x1024xbf16>, vector<1024x1024xbf16>, vector<512x1024xf32> -> vector<512x1024xf32>
    %eq3A = arith.constant 0 : i32
    %eq3A_35 = arith.cmpi eq, %arg1, %eq3A : i32
    %convert_element_type3A_36 = arith.extui %eq3A_35 : i1 to i32
    %cond3A = arith.constant 0 : i32
    %cond3A_37 = arith.cmpi ne, %convert_element_type3A_36, %cond3A : i32
    scf.if %cond3A_37 {
      %swap3A = arith.constant 0 : index
      %swap3A_47 = arith.constant 0 : index
      %swap3A_48 = vector.load %arg9[%swap3A, %swap3A_47] : memref<512x1024xf32, #tpu.memory_space<vmem>>, vector<512x1024xf32>
      tpu.vector_store %arg9[%swap3A, %swap3A_47], %dot_general3A_34 {strides = array<i32>} : memref<512x1024xf32, #tpu.memory_space<vmem>>, vector<512x1024xf32>,
    } else {
    }
    %gt3A = arith.constant 0 : i32
    %gt3A_38 = arith.cmpi sgt, %arg1, %gt3A : i32
    %convert_element_type3A_39 = arith.extui %gt3A_38 : i1 to i32
    %cond3A_40 = arith.constant 0 : i32
    %cond3A_41 = arith.cmpi ne, %convert_element_type3A_39, %cond3A_40 : i32
    scf.if %cond3A_41 {
      %get3A_47 = arith.constant 0 : index
      %get3A_48 = arith.constant 0 : index
      %get3A_49 = vector.load %arg9[%get3A_47, %get3A_48] : memref<512x1024xf32, #tpu.memory_space<vmem>>, vector<512x1024xf32>
      %add3A_50 = arith.addf %get3A_49, %dot_general3A_34 : vector<512x1024xf32>
      %swap3A = arith.constant 0 : index
      %swap3A_51 = arith.constant 0 : index
      %swap3A_52 = vector.load %arg9[%swap3A, %swap3A_51] : memref<512x1024xf32, #tpu.memory_space<vmem>>, vector<512x1024xf32>
      tpu.vector_store %arg9[%swap3A, %swap3A_51], %add3A_50 {strides = array<i32>} : memref<512x1024xf32, #tpu.memory_space<vmem>>, vector<512x1024xf32>,
    } else {
    }
    %eq3A_42 = arith.constant 3 : i32
    %eq3A_43 = arith.cmpi eq, %arg1, %eq3A_42 : i32
    %convert_element_type3A_44 = arith.extui %eq3A_43 : i1 to i32
    %cond3A_45 = arith.constant 0 : i32
    %cond3A_46 = arith.cmpi ne, %convert_element_type3A_44, %cond3A_45 : i32
    scf.if %cond3A_46 {
      %get3A_47 = arith.constant 0 : index
      %get3A_48 = arith.constant 0 : index
      %get3A_49 = vector.load %arg9[%get3A_47, %get3A_48] : memref<512x1024xf32, #tpu.memory_space<vmem>>, vector<512x1024xf32>
      %get3A_50 = arith.constant 0 : index
      %get3A_51 = arith.constant 0 : index
      %get3A_52 = arith.constant 0 : index
      %get3A_53 = vector.load %arg6[%get3A_50, %get3A_51, %get3A_52] : memref<1x1x1024xf32, #tpu.memory_space<vmem>>, vector<1x1x1024xf32>
      %get3A_54 = vector.shape_cast %get3A_53 : vector<1x1x1024xf32> to vector<1x1024xf32>
      %add3A_55 = vector.broadcast %get3A_54 : vector<1x1024xf32> to vector<512x1024xf32>
      %add3A_56 = arith.addf %get3A_49, %add3A_55 : vector<512x1024xf32>
      %get3A_57 = arith.constant 0 : index
      %get3A_58 = arith.constant 0 : index
      %get3A_59 = arith.constant 0 : index
      %get3A_60 = vector.load %arg7[%get3A_57, %get3A_58, %get3A_59] : memref<1x512x1xf32, #tpu.memory_space<vmem>>, vector<1x512x1xf32>
      %get3A_61 = vector.shape_cast %get3A_60 : vector<1x512x1xf32> to vector<512x1xf32>
      %mul3A_62 = vector.broadcast %get3A_61 : vector<512x1xf32> to vector<512x1024xf32>
      %mul3A_63 = arith.mulf %add3A_56, %mul3A_62 : vector<512x1024xf32>
      %convert_element_type3A_64 = arith.truncf %mul3A_63 : vector<512x1024xf32> to vector<512x1024xbf16>
      %swap3A = arith.constant 0 : index
      %swap3A_65 = arith.constant 0 : index
      %swap3A_66 = vector.load %arg8[%swap3A, %swap3A_65] : memref<528x1024xbf16, #tpu.memory_space<vmem>>, vector<512x1024xbf16>
      tpu.vector_store %arg8[%swap3A, %swap3A_65], %convert_element_type3A_64 {strides = array<i32>} : memref<528x1024xbf16, #tpu.memory_space<vmem>>, vector<512x1024xbf16>,
      %broadcast_in_dim3A = arith.constant 0.000000e+00 : bf16
      %broadcast_in_dim3A_67 = vector.broadcast %broadcast_in_dim3A : bf16 to vector<16x1024xbf16>
      %swap3A_68 = arith.constant 512 : index
      %swap3A_69 = arith.constant 0 : index
      %swap3A_70 = vector.load %arg8[%swap3A_68, %swap3A_69] : memref<528x1024xbf16, #tpu.memory_space<vmem>>, vector<16x1024xbf16>
      tpu.vector_store %arg8[%swap3A_68, %swap3A_69], %broadcast_in_dim3A_67 {strides = array<i32>} : memref<528x1024xbf16, #tpu.memory_space<vmem>>, vector<16x1024xbf16>,
    } else {
    }
    return
  }
  func.func @transform_0(%arg0: i32, %arg1: i32) -> (i32, i32, i32) {
    %c0_i32 = arith.constant 0 : i32
    %c0_i32_0 = arith.constant 0 : i32
    %c0_i32_1 = arith.constant 0 : i32
    return %arg0, %c0_i32, %c0_i32_0 : i32, i32, i32
  }
  func.func @transform_1(%arg0: i32, %arg1: i32) -> (i32, i32, i32) {
    %c0_i32 = arith.constant 0 : i32
    %c0_i32_0 = arith.constant 0 : i32
    return %arg0, %arg1, %c0_i32 : i32, i32, i32
  }
  func.func @transform_2(%arg0: i32, %arg1: i32) -> (i32, i32, i32) {
    %c0_i32 = arith.constant 0 : i32
    %c0_i32_0 = arith.constant 0 : i32
    return %arg0, %c0_i32, %arg1 : i32, i32, i32
  }
  func.func @transform_3(%arg0: i32, %arg1: i32) -> (i32, i32, i32) {
    %c0_i32 = arith.constant 0 : i32
    %c0_i32_0 = arith.constant 0 : i32
    return %arg0, %c0_i32, %arg1 : i32, i32, i32
  }
  func.func @transform_4(%arg0: i32, %arg1: i32) -> (i32, i32, i32) {
    %c0_i32 = arith.constant 0 : i32
    %c0_i32_0 = arith.constant 0 : i32
    %c0_i32_1 = arith.constant 0 : i32
    return %arg0, %c0_i32, %c0_i32_0 : i32, i32, i32
  }
  func.func @transform_5(%arg0: i32, %arg1: i32) -> (i32, i32, i32) {
    %c0_i32 = arith.constant 0 : i32
    %c0_i32_0 = arith.constant 0 : i32
    %c0_i32_1 = arith.constant 0 : i32
    return %arg0, %c0_i32, %c0_i32_0 : i32, i32, i32
  }
  func.func @transform_6(%arg0: i32, %arg1: i32) -> (i32, i32) {
    %c0_i32 = arith.constant 0 : i32
    %c0_i32_0 = arith.constant 0 : i32
    return %arg0, %c0_i32 : i32, i32
  }
}

</mosaic_0001>

<sc_bundles>
// kernel: kernel.10.cloned.1.call-start
scs
__scs_entry_jumppad:
0x0: {  	(pc) =	sbr.rel $0x88, $3  }
0x1: {  	(tag) =	ssettag $0x0;
	lr =	simm.s32 $0x1  }
0x2: {  	[smem:$0x3F9B] =	sst lr;
	_ =	strace $0xD0000000  }
0x3: {  	_ = 	snop  }
0x4: {  	_ = 	snop  }
0x5: {  	_ = 	snop  }
0x6: {  	_ = 	snop  }
0x7: {  	_ = 	snop  }
__scs_overlays_trampoline_lowered:
0x8: {  	[smem:$0x3FAA] =	sst s0  }
0x9: {  	[smem:$0x3FAB] =	sst s1  }
0xa: {  	[smem:$0x3FAC] =	sst s2  }
0xb: {  	[smem:$0x3FAD] =	sst s3  }
0xc: {  	[smem:$0x3FAE] =	sst s4  }
0xd: {  	[smem:$0x3FAF] =	sst s5  }
0xe: {  	[smem:$0x3FB0] =	sst s6  }
0xf: {  	[smem:$0x3FB1] =	sst s7  }
0x10: {  	[smem:$0x3FB2] =	sst s8  }
0x11: {  	[smem:$0x3FB3] =	sst s9;
	s0 =	simm.s32 @!p0 $0x0  }
0x12: {  	s1 =	sld [smem:$0x3F99];
	s0 =	simm.s32 @p0 $0x1  }
0x13: {  	[smem:$0x3FB4] =	sst s0;
	s0 =	simm.s32 @!p1 $0x0  }
0x14: {  	s2 =	sld [smem:$0x3F98];
	s0 =	simm.s32 @p1 $0x1  }
0x15: {  	[smem:$0x3FB5] =	sst s0;
	s0 =	simm.s32 @!p2 $0x0  }
0x16: {  	s3 =	sld [smem:$0x3FDB];
	s0 =	simm.s32 @p2 $0x1  }
0x17: {  	s4 =	simm.s32 $0x1BF5;
	[smem:$0x3FB7] =	sst s0  }
0x18: {  	s0 =	sld [smem:$0x3F9A];
	_ =	swait.ge [sflag:s4], $0x0  }
0x19: {  	s7 =	sld [smem:$0x3F9B]  }
0x1a: {  	s8 =	sadd.s32 $0xFFFFE003, lr  }
0x1b: {  	s9 =	sadd.s32 $0xFFFFFEF7, lr;
	s5 =	simm.s32 $0xFFFFFFFF;
	p2 =	slt.u32 s8, $0xFFFFF086  }
0x1c: {  	p1 =	slt.u32 s9, $0xF7A;
	s5 =	simm.s32 @!p2 $0x0  }
0x1d: {  	s5 =	simm.s32 @p1 $0x1;
	p0 =	seq.s32 s7, s2  }
0x1e: {  	s7 =	smul.u32 @!p0 $0xF7A, s2;
	p2 =	seq.s32 @!p0 s5, $0x0  }
0x1f: {  	s9 =	smul.u32 $0xF7A, s1;
	s8 =	simm.s32 @!p0 $0x1BF5;
	p2 =	por !p2, p0  }
0x20: {  	[sflag:s8] =	ssyncset.s32 @!p0 $0xFFFFF086;
	s6 =	sadd.s32 @!p0 s3, s7;
	s7 =	simm.s32 @!p0 $0x108  }
0x21: {  	s3 =	sadd.s32 s3, s9;
	s6 =	sadd.s32 @!p0 $0x88, s6;
	s7 =	simm.s32 @p2 $0x1082  }
0x22: {  	[simem:s7], [sflag:s8] =	dma.local @!p0 [hbm:s6], $0xF7A  }
0x23: {  	s9 =	sor.u32 $0xD0000000, s2;
	s6 =	simm.s32 $0x108;
	_ =	swait.ge @!p0 [sflag:s8], $0x0  }
0x24: {  	s3 =	sadd.s32 $0x88, s3;
	s6 =	simm.s32 @!p1 $0x1082;
	[sflag:s4] =	ssyncset.s32 $0xFFFFF086  }
0x25: {  	[simem:s6], [sflag:s4] =	dma.local [hbm:s3], $0xF7A  }
0x26: {  	[smem:$0x3F9B] =	sst s1;
	(tag) =	ssettag s2;
	_ =	strace s9  }
0x27: {  	s1 =	sld [smem:$0x3FAB]  }
0x28: {  	s2 =	sld [smem:$0x3FAC]  }
0x29: {  	s4 =	sld [smem:$0x3FAE]  }
0x2a: {  	p0 =	seq.s32 s5, $0x0;
	s5 =	sld [smem:$0x3FAF]  }
0x2b: {  	s6 =	sld [smem:$0x3FB0]  }
0x2c: {  	s7 =	sld [smem:$0x3FB1]  }
0x2d: {  	s3 =	simm.s32 $0x108;
	s8 =	sld [smem:$0x3FB2]  }
0x2e: {  	s3 =	simm.s32 @!p0 $0x1082;
	s9 =	sld [smem:$0x3FB3]  }
0x2f: {  	lr =	sadd.s32 s0, s3;
	s0 =	sld [smem:$0x3FAA]  }
0x30: {  	s3 =	sld [smem:$0x3FAD]  }
0x31: {  	[smem:$0x3FB6] =	sst s10  }
0x32: {  	s10 =	sld [smem:$0x3FB4];
	_ =	sdelay $0x3  }
0x33: {  	p0 =	seq.s32 s10, $0x1;
	s10 =	sld [smem:$0x3FB6];
	_ =	sdelay $0x3  }
0x34: {  	[smem:$0x3FB6] =	sst s10  }
0x35: {  	s10 =	sld [smem:$0x3FB5];
	_ =	sdelay $0x3  }
0x36: {  	p1 =	seq.s32 s10, $0x1;
	s10 =	sld [smem:$0x3FB6];
	_ =	sdelay $0x3  }
0x37: {  	[smem:$0x3FB6] =	sst s10  }
0x38: {  	s10 =	sld [smem:$0x3FB7]  }
0x39: {  	_ = 	snop;
	(pc) =	sbr.ind lr, $3  }
0x3a: {  	_ = 	snop  }
0x3b: {  	_ = 	snop  }
0x3c: {  	p2 =	seq.s32 s10, $0x1;
	s10 =	sld [smem:$0x3FB6]  }
0x3d: {  	_ =	shalt  }
0x3e: {  	_ =	shalt  }
0x3f: {  	_ =	shalt  }
0x40: {  	_ =	shalt  }
0x41: {  	_ =	shalt  }
0x42: {  	_ =	shalt  }
0x43: {  	_ =	shalt  }
0x44: {  	_ =	shalt  }
0x45: {  	_ =	shalt  }
0x46: {  	_ =	shalt  }
0x47: {  	_ =	shalt  }
0x48: {  	_ =	shalt  }
0x49: {  	_ =	shalt  }
0x4a: {  	_ =	shalt  }
0x4b: {  	_ =	shalt  }
0x4c: {  	_ =	shalt  }
0x4d: {  	_ =	shalt  }
0x4e: {  	_ =	shalt  }
0x4f: {  	_ =	shalt  }
0x50: {  	_ =	shalt  }
0x51: {  	_ =	shalt  }
0x52: {  	_ =	shalt  }
0x53: {  	_ =	shalt  }
0x54: {  	_ =	shalt  }
0x55: {  	_ =	shalt  }
0x56: {  	_ =	shalt  }
0x57: {  	_ =	shalt  }
0x58: {  	_ =	shalt  }
0x59: {  	_ =	shalt  }
0x5a: {  	_ =	shalt  }
0x5b: {  	_ =	shalt  }
0x5c: {  	_ =	shalt  }
0x5d: {  	_ =	shalt  }
0x5e: {  	_ =	shalt  }
0x5f: {  	_ =	shalt  }
0x60: {  	_ =	shalt  }
0x61: {  	_ =	shalt  }
0x62: {  	_ =	shalt  }
0x63: {  	_ =	shalt  }
0x64: {  	_ =	shalt  }
0x65: {  	_ =	shalt  }
0x66: {  	_ =	shalt  }
0x67: {  	_ =	shalt  }
0x68: {  	_ =	shalt  }
0x69: {  	_ =	shalt  }
0x6a: {  	_ =	shalt  }
0x6b: {  	_ =	shalt  }
0x6c: {  	_ =	shalt  }
0x6d: {  	_ =	shalt  }
0x6e: {  	_ =	shalt  }
0x6f: {  	_ =	shalt  }
0x70: {  	_ =	shalt  }
0x71: {  	_ =	shalt  }
0x72: {  	_ =	shalt  }
0x73: {  	_ =	shalt  }
0x74: {  	_ =	shalt  }
0x75: {  	_ =	shalt  }
0x76: {  	_ =	shalt  }
0x77: {  	_ =	shalt  }
0x78: {  	_ =	shalt  }
0x79: {  	_ =	shalt  }
0x7a: {  	_ =	shalt  }
0x7b: {  	_ =	shalt  }
0x7c: {  	_ =	shalt  }
0x7d: {  	_ =	shalt  }
0x7e: {  	_ =	shalt  }
0x7f: {  	_ =	shalt  }
0x80: {  	_ =	shalt  }
0x81: {  	_ =	shalt  }
0x82: {  	_ =	shalt  }
0x83: {  	_ =	shalt  }
0x84: {  	_ =	shalt  }
0x85: {  	_ =	shalt  }
0x86: {  	_ =	shalt  }
0x87: {  	_ =	shalt  }
.Lfunc_end0:
.L_simem_size_0:
called_computation.1_lowered:
.L_overlay_start_0:
0x88: {  	s2 =	sld [smem:$0x3FD9]  }
0x89: {  	s3 =	sld [smem:$0x3FFE];
	_ =	sdelay $0x1  }
0x8a: {  	s1 =	srdreg.scid  }
0x8b: {  	s0 =	sand.u32 $0x1, s1  }
0x8c: {  	s17 =	sshll.u32 s0, $0xA;
	s2 =	sadd.s32 s3, s2  }
0x8d: {  	s2 =	sadd.s32 s2, s17  }
0x8e: {  	[smem:$0x3FC2] =	sst s2  }
0x8f: {  	_ = 	snop  }
0x90: {  	s2 =	sld [smem:$0x3FC9]  }
0x91: {  	s18 =	sld [smem:$0x3FD0];
	(tm) =	ssettm $0x1  }
0x92: {  	s4 =	sld [smem:$0x3FFB];
	_ =	sdelay $0x3  }
0x93: {  	_ =	strace s4  }
0x94: {  	s4 =	sld [smem:$0x3FFC];
	_ =	sdelay $0x3  }
0x95: {  	_ =	strace s4  }
0x96: {  	s4 =	sld [smem:$0x3FFD];
	_ =	sdelay $0x3  }
0x97: {  	_ =	strace s4  }
0x98: {  	_ =	strace $0x8FFFFFFF  }
0x99: {  	s19 =	sld [smem:$0x3FDB];
	_ =	sdelay $0x1  }
0x9a: {  	s5 =	simm.s32 $_scs_section_size  }
0x9b: {  	s6 =	simm.s32 $_size__tile_overlayer_lowered;
	s7 =	simm.s32 $_tile_overlayer_lowered  }
0x9c: {  	s22 =	simm.s32 $0x1BFF;
	s21 =	sshll.u32 s7, $0x1;
	s4 =	sadd.s32 s5, s19  }
0x9d: {  	s8 =	simm.s32 $0x0;
	s20 =	sshll.u32 s6, $0x1;
	s6 =	sadd.s32 s21, s4  }
0x9e: {  	[timem:s8], [sflag:s22] =	dma.local [hbm:s6], s20  }
0x9f: {  	_ =	swait.ge [sflag:s22], s20  }
0xa0: {  	s5 =	ssub.s32 $0x0, s20;
	[sflag:s22] =	ssyncset.done $0x0  }
0xa1: {  	[sflag:s22] =	ssyncadd.s32 s5;
	_ =	sdelay $0x1  }
0xa2: {  	s23 =	simm.s32 $0x1B8B  }
0xa3: {  	_ =	swait.ge [sflag:s23], $0x1  }
0xa4: {  	[sflag:s23] =	ssyncset.done $0x0  }
0xa5: {  	s25 =	simm.s32 $0x1B8E;
	s24 =	sld [smem:$0x3FFE];
	[sflag:s23] =	ssyncadd.s32 $0xFFFFFFFF  }
0xa6: {  	s26 =	simm.s32 $execute0_lowered;
	[smem:$0x3FD2] =	sst s25  }
0xa7: {  	s6 =	sshll.u32 s26, $0x1;
	_ =	strace $0x80000049;
	[dreg:$0x1] =	wrdreg $0xFFFFFFFF  }
0xa8: {  	s28 =	simm.s32 $_size_execute0_lowered;
	s4 =	sadd.s32 s4, s6;
	[dreg:$0x0] =	wrdreg $0x0  }
0xa9: {  	s6 =	sshll.u32 s28, $0x1;
	[dreg:$0x2] =	wrdreg s4  }
0xaa: {  	[dreg:$0x3] =	wrdreg s6  }
0xab: {  	[dreg:$0x4] =	wrdreg $0xC0  }
0xac: {  	_ =	task [dreg:s8], $0x5FFFF  }
0xad: {  	[dreg:$0x1] =	wrdreg $0xFFFFFFFF  }
0xae: {  	[dreg:$0x0] =	wrdreg $0x60  }
0xaf: {  	[dreg:$0x2] =	wrdreg s2  }
0xb0: {  	[dreg:$0x3] =	wrdreg s24  }
0xb1: {  	[dreg:$0x4] =	wrdreg s18  }
0xb2: {  	[dreg:$0x5] =	wrdreg $0x9  }
0xb3: {  	_ =	task.clear_ibuf [dreg:s8], $0x6FFFF;
	_ =	strace $0x90000049  }
0xb4: {  	s29 =	simm.s32 $0x9;
	_ =	strace $0x8000004B  }
0xb5: {  	_ =	swait.ge [sflag:s29], $0x1  }
0xb6: {  	[sflag:s29] =	ssyncadd.s32 $0xFFFFFFFF  }
0xb7: {  	_ =	strace $0x9000004B  }
0xb8: {  	_ =	sfence  }
0xb9: {  	s30 =	sld [smem:$0x0];
	_ =	sdelay $0x2  }
0xba: {  	s31 =	sshll.u32 s1, $0xD;
	s1 =	sshrl.u32 s1, $0x2  }
0xbb: {  	s3 =	sand.u32 $0x4000, s31;
	s1 =	sadd.s32 s1, s30  }
0xbc: {  	s0 =	sor.u32 s3, s0;
	s1 =	sshll.u32 s1, $0x11  }
0xbd: {  	s0 =	sor.u32 s1, s0  }
0xbe: {  	s0 =	sadd.s32 $0x8F2B, s0  }
0xbf: {  	[sflag:s0] =	ssyncadd.remote.s32 $0x1  }
0xc0: {  	_ =	sfence.sel $0xFFFF  }
0xc1: {  	[dreg:$0x0] =	wrdreg $0xFFFFFFFF;
	(pc) =	sbr.abs _section_cstart, $3  }
0xc2: {  	[dreg:$0x1] =	wrdreg $0xFFFFFFFF  }
0xc3: {  	_ =	task.clear_ibuf [dreg:s8], $0x2FFFF;
	_ =	strace $0x9FFFFFFF  }
0xc4: {  	(tm) =	ssettm $0x7FFFFFFF  }
0xc5: {  	_ =	shalt  }
tec
execute0_lowered:
.L_overlay_start_1:
0x0: {  	(tag) =	ssettag $0x1  }
0x1: {  	s1 =	rddreg [dreg:$0x0]  }
0x2: {  	s0 =	rddreg [dreg:$0x1]  }
0x3: {  	s2 =	rddreg [dreg:$0x2]  }
0x4: {  	s3 =	srdreg.scid;
	s5 =	stileid.u32  }
0x5: {  	s18 =	simm.s32 $0x1;
	s20 =	simm.s32 $0x880;
	s21 =	simm.s32 $0x1080  }
0x6: {  	s22 =	simm.s32 $0x1880;
	s23 =	simm.s32 $0x2080;
	s24 =	simm.s32 $0x2880  }
0x7: {  	s28 =	simm.s32 $0x4080;
	s29 =	simm.s32 $0x4880;
	s30 =	simm.s32 $0x5080  }
0x8: {  	s31 =	simm.s32 $0x5880;
	s10 =	simm.s32 $0x7080;
	s11 =	simm.s32 $0x7880  }
0x9: {  	s12 =	simm.s32 $0x8080;
	s13 =	simm.s32 $0x8880;
	s14 =	simm.s32 $0x9080  }
0xa: {  	s15 =	simm.s32 $0x9880;
	s16 =	simm.s32 $0xA080;
	s17 =	simm.s32 $0xA880  }
0xb: {  	s4 =	sand.u32 $0x1, s3;
	s3 =	simm.s32 $0x0;
	s5 =	sshll.u32 s5, $0x8  }
0xc: {  	s0 =	sadd.s32 $0x1E00, s0;
	s6 =	sshll.u32 s4, $0x7;
	s4 =	ssub.s32 $0x2, s4  }
0xd: {  	[smem:$0x7FF] =	sst s3;
	s5 =	sor.u32 s6, s5;
	s7 =	sshrl.u32 s4, $0x1  }
0xe: {  	_ =	strace $0x8000004A;
	s6 =	sshrl.u32 s5, $0x3;
	s7 =	ssub.s32 s4, s7  }
0xf: {  	s4 =	sadd.s32 $0x100, s1;
	s25 =	sshll.u32 s5, $0x7;
	s8 =	sor.u32 $0x40, s5  }
0x10: {  	s5 =	sadd.s32 $0x200, s1;
	s6 =	sadd.s32 s0, s6;
	s9 =	sshrl.u32 s8, $0x3  }
0x11: {  	s8 =	sshll.u32 s8, $0x7;
	s7 =	smax.u32 s7, $0x1;
	[dreg:$0x4] =	wrdreg s6  }
0x12: {  	s6 =	sadd.s32 s2, s25;
	s0 =	sadd.s32 s0, s9;
	s26 =	sadd.s32 s2, s8  }
0x13: {  	v2 =	vlaneseq.u32;
	s8 =	simm.s32 $0x2;
	s25 =	simm.s32 $0x3080;
	[dreg:$0x5] =	wrdreg s6  }
0x14: {  	vm0 =	vmmov $0xffff;
	v1 =	vshrl.u32 v2, $0x3;
	s9 =	simm.s32 $0xB080;
	s6 =	sadd.s32 $0x300, s1;
	[dreg:$0x6] =	wrdreg s0  }
0x15: {  	v0 =	vand.u32 $0x7, v2;
	v2 =	vor.u32 $0x8, v2;
	v1 =	vmul.u32 $0x8, v1;
	[dreg:$0x7] =	wrdreg s26;
	s0 =	simm.s32 $0x80;
	s26 =	simm.s32 $0x3880  }
.LBB2_1:
0x16: {  	s19 =	rddreg [dreg:$0x4]  }
0x17: {  	[tilespmem:s3], [sflag:$0x2] =	stream.linear.gather [hbm4b:s19+s3], $0x40, $0x38;
	[tilespmem:$0x10080] =	vst v63  }
0x18: {  	_ =	swait.ge [sflag:s8], $0x40  }
0x19: {  	[sflag:s8] =	ssyncset.done $0x0  }
0x1a: {  	[sflag:s8] =	ssyncadd.s32 $0xFFFFFFC0  }
0x1b: {  	v3 =	vld [tilespmem:$0x0];
	_ =	sdelay $0x4  }
0x1c: {  	v4 =	vshll.u32 v3, $0x3  }
0x1d: {  	v3 =	vand.u32 $0x7, v3;
	v4 =	vand.u32 $0xFFFFFFC0, v4  }
0x1e: {  	v3 =	vor.u32 v3, v4  }
0x1f: {  	v4 =	vperm.xlane v3, v0;
	_ =	sdelay $0x1  }
0x20: {  	v4 =	vadd.s32 v1, v4;
	_ =	sdelay $0x4  }
0x21: {  	[tilespmem:s0], [sflag:$0x1] =	stream.indirect_vreg.gather [hbm4b:s1+s3], $0x80, v4, vm0, $0xb8;
	[tilespmem:$0x10080] =	vst v63  }
0x22: {  	v3 =	vperm.xlane v3, v2  }
0x23: {  	[tilespmem:s20], [sflag:$0x1] =	stream.indirect_vreg.gather [hbm4b:s4+s3], $0x80, v4, vm0, $0xb8;
	[tilespmem:$0x10080] =	vst v63  }
0x24: {  	v3 =	vadd.s32 v1, v3  }
0x25: {  	[tilespmem:s21], [sflag:$0x1] =	stream.indirect_vreg.gather [hbm4b:s5+s3], $0x80, v4, vm0, $0xb8;
	[tilespmem:$0x10080] =	vst v63  }
0x26: {  	_ = 	snop  }
0x27: {  	[tilespmem:s22], [sflag:$0x1] =	stream.indirect_vreg.gather [hbm4b:s6+s3], $0x80, v4, vm0, $0xb8;
	[tilespmem:$0x10080] =	vst v63  }
0x28: {  	_ = 	snop  }
0x29: {  	[tilespmem:s23], [sflag:$0x1] =	stream.indirect_vreg.gather [hbm4b:s1+s3], $0x80, v3, vm0, $0xb8;
	[tilespmem:$0x10080] =	vst v63  }
0x2a: {  	_ = 	snop  }
0x2b: {  	[tilespmem:s24], [sflag:$0x1] =	stream.indirect_vreg.gather [hbm4b:s4+s3], $0x80, v3, vm0, $0xb8;
	[tilespmem:$0x10080] =	vst v63  }
0x2c: {  	_ = 	snop  }
0x2d: {  	[tilespmem:s25], [sflag:$0x1] =	stream.indirect_vreg.gather [hbm4b:s5+s3], $0x80, v3, vm0, $0xb8;
	[tilespmem:$0x10080] =	vst v63  }
0x2e: {  	_ = 	snop  }
0x2f: {  	[tilespmem:s26], [sflag:$0x1] =	stream.indirect_vreg.gather [hbm4b:s6+s3], $0x80, v3, vm0, $0xb8;
	[tilespmem:$0x10080] =	vst v63  }
0x30: {  	v3 =	vld [tilespmem:$0x10];
	_ =	sdelay $0x4  }
0x31: {  	v57 =	vshll.u32 v3, $0x3  }
0x32: {  	v3 =	vand.u32 $0x7, v3;
	v4 =	vand.u32 $0xFFFFFFC0, v57  }
0x33: {  	v3 =	vor.u32 v3, v4  }
0x34: {  	v4 =	vperm.xlane v3, v0;
	_ =	sdelay $0x1  }
0x35: {  	v4 =	vadd.s32 v1, v4;
	_ =	sdelay $0x4  }
0x36: {  	[tilespmem:s28], [sflag:$0x1] =	stream.indirect_vreg.gather [hbm4b:s1+s3], $0x80, v4, vm0, $0xb8;
	[tilespmem:$0x10080] =	vst v63  }
0x37: {  	v3 =	vperm.xlane v3, v2  }
0x38: {  	[tilespmem:s29], [sflag:$0x1] =	stream.indirect_vreg.gather [hbm4b:s4+s3], $0x80, v4, vm0, $0xb8;
	[tilespmem:$0x10080] =	vst v63  }
0x39: {  	v3 =	vadd.s32 v1, v3  }
0x3a: {  	[tilespmem:s30], [sflag:$0x1] =	stream.indirect_vreg.gather [hbm4b:s5+s3], $0x80, v4, vm0, $0xb8;
	[tilespmem:$0x10080] =	vst v63  }
0x3b: {  	_ = 	snop  }
0x3c: {  	[tilespmem:s31], [sflag:$0x1] =	stream.indirect_vreg.gather [hbm4b:s6+s3], $0x80, v4, vm0, $0xb8;
	[tilespmem:$0x10080] =	vst v63  }
0x3d: {  	s2 =	simm.s32 $0x6080  }
0x3e: {  	[tilespmem:s2], [sflag:$0x1] =	stream.indirect_vreg.gather [hbm4b:s1+s3], $0x80, v3, vm0, $0xb8;
	[tilespmem:$0x10080] =	vst v63  }
0x3f: {  	s2 =	simm.s32 $0x6880  }
0x40: {  	[tilespmem:s2], [sflag:$0x1] =	stream.indirect_vreg.gather [hbm4b:s4+s3], $0x80, v3, vm0, $0xb8;
	[tilespmem:$0x10080] =	vst v63  }
0x41: {  	_ = 	snop  }
0x42: {  	[tilespmem:s10], [sflag:$0x1] =	stream.indirect_vreg.gather [hbm4b:s5+s3], $0x80, v3, vm0, $0xb8;
	[tilespmem:$0x10080] =	vst v63  }
0x43: {  	_ = 	snop  }
0x44: {  	[tilespmem:s11], [sflag:$0x1] =	stream.indirect_vreg.gather [hbm4b:s6+s3], $0x80, v3, vm0, $0xb8;
	[tilespmem:$0x10080] =	vst v63  }
0x45: {  	v3 =	vld [tilespmem:$0x20];
	_ =	sdelay $0x4  }
0x46: {  	v58 =	vshll.u32 v3, $0x3  }
0x47: {  	v3 =	vand.u32 $0x7, v3;
	v4 =	vand.u32 $0xFFFFFFC0, v58  }
0x48: {  	v3 =	vor.u32 v3, v4  }
0x49: {  	v4 =	vperm.xlane v3, v0;
	_ =	sdelay $0x1  }
0x4a: {  	v4 =	vadd.s32 v1, v4;
	_ =	sdelay $0x4  }
0x4b: {  	[tilespmem:s12], [sflag:$0x1] =	stream.indirect_vreg.gather [hbm4b:s1+s3], $0x80, v4, vm0, $0xb8;
	[tilespmem:$0x10080] =	vst v63  }
0x4c: {  	v3 =	vperm.xlane v3, v2  }
0x4d: {  	[tilespmem:s13], [sflag:$0x1] =	stream.indirect_vreg.gather [hbm4b:s4+s3], $0x80, v4, vm0, $0xb8;
	[tilespmem:$0x10080] =	vst v63  }
0x4e: {  	v3 =	vadd.s32 v1, v3  }
0x4f: {  	[tilespmem:s14], [sflag:$0x1] =	stream.indirect_vreg.gather [hbm4b:s5+s3], $0x80, v4, vm0, $0xb8;
	[tilespmem:$0x10080] =	vst v63  }
0x50: {  	_ = 	snop  }
0x51: {  	[tilespmem:s15], [sflag:$0x1] =	stream.indirect_vreg.gather [hbm4b:s6+s3], $0x80, v4, vm0, $0xb8;
	[tilespmem:$0x10080] =	vst v63  }
0x52: {  	_ = 	snop  }
0x53: {  	[tilespmem:s16], [sflag:$0x1] =	stream.indirect_vreg.gather [hbm4b:s1+s3], $0x80, v3, vm0, $0xb8;
	[tilespmem:$0x10080] =	vst v63  }
0x54: {  	_ = 	snop  }
0x55: {  	[tilespmem:s17], [sflag:$0x1] =	stream.indirect_vreg.gather [hbm4b:s4+s3], $0x80, v3, vm0, $0xb8;
	[tilespmem:$0x10080] =	vst v63  }
0x56: {  	_ = 	snop  }
0x57: {  	[tilespmem:s9], [sflag:$0x1] =	stream.indirect_vreg.gather [hbm4b:s5+s3], $0x80, v3, vm0, $0xb8;
	[tilespmem:$0x10080] =	vst v63  }
0x58: {  	s19 =	simm.s32 $0xB880  }
0x59: {  	[tilespmem:s19], [sflag:$0x1] =	stream.indirect_vreg.gather [hbm4b:s6+s3], $0x80, v3, vm0, $0xb8;
	[tilespmem:$0x10080] =	vst v63  }
0x5a: {  	v3 =	vld [tilespmem:$0x30];
	_ =	sdelay $0x4  }
0x5b: {  	v59 =	vshll.u32 v3, $0x3  }
0x5c: {  	v3 =	vand.u32 $0x7, v3;
	v4 =	vand.u32 $0xFFFFFFC0, v59  }
0x5d: {  	v3 =	vor.u32 v3, v4  }
0x5e: {  	v4 =	vperm.xlane v3, v0;
	_ =	sdelay $0x1  }
0x5f: {  	v4 =	vadd.s32 v1, v4;
	_ =	sdelay $0x3  }
0x60: {  	s19 =	simm.s32 $0xC080  }
0x61: {  	[tilespmem:s19], [sflag:$0x1] =	stream.indirect_vreg.gather [hbm4b:s1+s3], $0x80, v4, vm0, $0xb8;
	[tilespmem:$0x10080] =	vst v63  }
0x62: {  	v3 =	vperm.xlane v3, v2;
	s19 =	simm.s32 $0xC880  }
0x63: {  	[tilespmem:s19], [sflag:$0x1] =	stream.indirect_vreg.gather [hbm4b:s4+s3], $0x80, v4, vm0, $0xb8;
	[tilespmem:$0x10080] =	vst v63  }
0x64: {  	v3 =	vadd.s32 v1, v3;
	s19 =	simm.s32 $0xD080  }
0x65: {  	[tilespmem:s19], [sflag:$0x1] =	stream.indirect_vreg.gather [hbm4b:s5+s3], $0x80, v4, vm0, $0xb8;
	[tilespmem:$0x10080] =	vst v63  }
0x66: {  	s19 =	simm.s32 $0xD880  }
0x67: {  	[tilespmem:s19], [sflag:$0x1] =	stream.indirect_vreg.gather [hbm4b:s6+s3], $0x80, v4, vm0, $0xb8;
	[tilespmem:$0x10080] =	vst v63  }
0x68: {  	s19 =	simm.s32 $0xE080  }
0x69: {  	[tilespmem:s19], [sflag:$0x1] =	stream.indirect_vreg.gather [hbm4b:s1+s3], $0x80, v3, vm0, $0xb8;
	[tilespmem:$0x10080] =	vst v63  }
0x6a: {  	s19 =	simm.s32 $0xE880  }
0x6b: {  	[tilespmem:s19], [sflag:$0x1] =	stream.indirect_vreg.gather [hbm4b:s4+s3], $0x80, v3, vm0, $0xb8;
	[tilespmem:$0x10080] =	vst v63  }
0x6c: {  	s19 =	simm.s32 $0xF080  }
0x6d: {  	[tilespmem:s19], [sflag:$0x1] =	stream.indirect_vreg.gather [hbm4b:s5+s3], $0x80, v3, vm0, $0xb8;
	[tilespmem:$0x10080] =	vst v63  }
0x6e: {  	s19 =	simm.s32 $0xF880  }
0x6f: {  	[tilespmem:s19], [sflag:$0x1] =	stream.indirect_vreg.gather [hbm4b:s6+s3], $0x80, v3, vm0, $0xb8;
	[tilespmem:$0x10080] =	vst v63  }
0x70: {  	_ =	swait.ge [sflag:s18], $0x10000  }
0x71: {  	[sflag:s18] =	ssyncset.done $0x0  }
0x72: {  	s19 =	rddreg [dreg:$0x5];
	[sflag:s18] =	ssyncadd.s32 $0xFFFF0000  }
0x73: {  	[hbm4b:s19+s3] =	stream.linear.scatter [tilespmem:s0], [sflag:$0x2], $0x10000, $0x38;
	[tilespmem:$0x10080] =	vst v63  }
0x74: {  	_ =	swait.ge [sflag:s8], $0x10000  }
0x75: {  	[sflag:s8] =	ssyncset.done $0x0  }
0x76: {  	s19 =	rddreg [dreg:$0x6];
	[sflag:s8] =	ssyncadd.s32 $0xFFFF0000  }
0x77: {  	[tilespmem:s3], [sflag:$0x2] =	stream.linear.gather [hbm4b:s19+s3], $0x40, $0x38;
	[tilespmem:$0x10080] =	vst v63  }
0x78: {  	_ =	swait.ge [sflag:s8], $0x40  }
0x79: {  	[sflag:s8] =	ssyncset.done $0x0  }
0x7a: {  	[sflag:s8] =	ssyncadd.s32 $0xFFFFFFC0  }
0x7b: {  	v3 =	vld [tilespmem:$0x0];
	_ =	sdelay $0x4  }
0x7c: {  	v60 =	vshll.u32 v3, $0x3  }
0x7d: {  	v3 =	vand.u32 $0x7, v3;
	v4 =	vand.u32 $0xFFFFFFC0, v60  }
0x7e: {  	v3 =	vor.u32 v3, v4  }
0x7f: {  	v4 =	vperm.xlane v3, v0;
	_ =	sdelay $0x1  }
0x80: {  	v4 =	vadd.s32 v1, v4;
	_ =	sdelay $0x4  }
0x81: {  	[tilespmem:s0], [sflag:$0x1] =	stream.indirect_vreg.gather [hbm4b:s1+s3], $0x80, v4, vm0, $0xb8;
	[tilespmem:$0x10080] =	vst v63  }
0x82: {  	v3 =	vperm.xlane v3, v2  }
0x83: {  	[tilespmem:s20], [sflag:$0x1] =	stream.indirect_vreg.gather [hbm4b:s4+s3], $0x80, v4, vm0, $0xb8;
	[tilespmem:$0x10080] =	vst v63  }
0x84: {  	v3 =	vadd.s32 v1, v3  }
0x85: {  	[tilespmem:s21], [sflag:$0x1] =	stream.indirect_vreg.gather [hbm4b:s5+s3], $0x80, v4, vm0, $0xb8;
	[tilespmem:$0x10080] =	vst v63  }
0x86: {  	_ = 	snop  }
0x87: {  	[tilespmem:s22], [sflag:$0x1] =	stream.indirect_vreg.gather [hbm4b:s6+s3], $0x80, v4, vm0, $0xb8;
	[tilespmem:$0x10080] =	vst v63  }
0x88: {  	_ = 	snop  }
0x89: {  	[tilespmem:s23], [sflag:$0x1] =	stream.indirect_vreg.gather [hbm4b:s1+s3], $0x80, v3, vm0, $0xb8;
	[tilespmem:$0x10080] =	vst v63  }
0x8a: {  	_ = 	snop  }
0x8b: {  	[tilespmem:s24], [sflag:$0x1] =	stream.indirect_vreg.gather [hbm4b:s4+s3], $0x80, v3, vm0, $0xb8;
	[tilespmem:$0x10080] =	vst v63  }
0x8c: {  	_ = 	snop  }
0x8d: {  	[tilespmem:s25], [sflag:$0x1] =	stream.indirect_vreg.gather [hbm4b:s5+s3], $0x80, v3, vm0, $0xb8;
	[tilespmem:$0x10080] =	vst v63  }
0x8e: {  	_ = 	snop  }
0x8f: {  	[tilespmem:s26], [sflag:$0x1] =	stream.indirect_vreg.gather [hbm4b:s6+s3], $0x80, v3, vm0, $0xb8;
	[tilespmem:$0x10080] =	vst v63  }
0x90: {  	v3 =	vld [tilespmem:$0x10];
	_ =	sdelay $0x4  }
0x91: {  	v61 =	vshll.u32 v3, $0x3  }
0x92: {  	v3 =	vand.u32 $0x7, v3;
	v4 =	vand.u32 $0xFFFFFFC0, v61  }
0x93: {  	v3 =	vor.u32 v3, v4  }
0x94: {  	v4 =	vperm.xlane v3, v0;
	_ =	sdelay $0x1  }
0x95: {  	v4 =	vadd.s32 v1, v4;
	_ =	sdelay $0x4  }
0x96: {  	[tilespmem:s28], [sflag:$0x1] =	stream.indirect_vreg.gather [hbm4b:s1+s3], $0x80, v4, vm0, $0xb8;
	[tilespmem:$0x10080] =	vst v63  }
0x97: {  	v3 =	vperm.xlane v3, v2  }
0x98: {  	[tilespmem:s29], [sflag:$0x1] =	stream.indirect_vreg.gather [hbm4b:s4+s3], $0x80, v4, vm0, $0xb8;
	[tilespmem:$0x10080] =	vst v63  }
0x99: {  	v3 =	vadd.s32 v1, v3  }
0x9a: {  	[tilespmem:s30], [sflag:$0x1] =	stream.indirect_vreg.gather [hbm4b:s5+s3], $0x80, v4, vm0, $0xb8;
	[tilespmem:$0x10080] =	vst v63  }
0x9b: {  	_ = 	snop  }
0x9c: {  	[tilespmem:s31], [sflag:$0x1] =	stream.indirect_vreg.gather [hbm4b:s6+s3], $0x80, v4, vm0, $0xb8;
	[tilespmem:$0x10080] =	vst v63  }
0x9d: {  	s19 =	simm.s32 $0x6080  }
0x9e: {  	[tilespmem:s19], [sflag:$0x1] =	stream.indirect_vreg.gather [hbm4b:s1+s3], $0x80, v3, vm0, $0xb8;
	[tilespmem:$0x10080] =	vst v63  }
0x9f: {  	_ = 	snop  }
0xa0: {  	[tilespmem:s2], [sflag:$0x1] =	stream.indirect_vreg.gather [hbm4b:s4+s3], $0x80, v3, vm0, $0xb8;
	[tilespmem:$0x10080] =	vst v63  }
0xa1: {  	_ = 	snop  }
0xa2: {  	[tilespmem:s10], [sflag:$0x1] =	stream.indirect_vreg.gather [hbm4b:s5+s3], $0x80, v3, vm0, $0xb8;
	[tilespmem:$0x10080] =	vst v63  }
0xa3: {  	_ = 	snop  }
0xa4: {  	[tilespmem:s11], [sflag:$0x1] =	stream.indirect_vreg.gather [hbm4b:s6+s3], $0x80, v3, vm0, $0xb8;
	[tilespmem:$0x10080] =	vst v63  }
0xa5: {  	v3 =	vld [tilespmem:$0x20];
	_ =	sdelay $0x4  }
0xa6: {  	v62 =	vshll.u32 v3, $0x3  }
0xa7: {  	v3 =	vand.u32 $0x7, v3;
	v4 =	vand.u32 $0xFFFFFFC0, v62  }
0xa8: {  	v3 =	vor.u32 v3, v4  }
0xa9: {  	v4 =	vperm.xlane v3, v0;
	_ =	sdelay $0x1  }
0xaa: {  	v4 =	vadd.s32 v1, v4;
	_ =	sdelay $0x4  }
0xab: {  	[tilespmem:s12], [sflag:$0x1] =	stream.indirect_vreg.gather [hbm4b:s1+s3], $0x80, v4, vm0, $0xb8;
	[tilespmem:$0x10080] =	vst v63  }
0xac: {  	v3 =	vperm.xlane v3, v2  }
0xad: {  	[tilespmem:s13], [sflag:$0x1] =	stream.indirect_vreg.gather [hbm4b:s4+s3], $0x80, v4, vm0, $0xb8;
	[tilespmem:$0x10080] =	vst v63  }
0xae: {  	v3 =	vadd.s32 v1, v3  }
0xaf: {  	[tilespmem:s14], [sflag:$0x1] =	stream.indirect_vreg.gather [hbm4b:s5+s3], $0x80, v4, vm0, $0xb8;
	[tilespmem:$0x10080] =	vst v63  }
0xb0: {  	_ = 	snop  }
0xb1: {  	[tilespmem:s15], [sflag:$0x1] =	stream.indirect_vreg.gather [hbm4b:s6+s3], $0x80, v4, vm0, $0xb8;
	[tilespmem:$0x10080] =	vst v63  }
0xb2: {  	_ = 	snop  }
0xb3: {  	[tilespmem:s16], [sflag:$0x1] =	stream.indirect_vreg.gather [hbm4b:s1+s3], $0x80, v3, vm0, $0xb8;
	[tilespmem:$0x10080] =	vst v63  }
0xb4: {  	_ = 	snop  }
0xb5: {  	[tilespmem:s17], [sflag:$0x1] =	stream.indirect_vreg.gather [hbm4b:s4+s3], $0x80, v3, vm0, $0xb8;
	[tilespmem:$0x10080] =	vst v63  }
0xb6: {  	_ = 	snop  }
0xb7: {  	[tilespmem:s9], [sflag:$0x1] =	stream.indirect_vreg.gather [hbm4b:s5+s3], $0x80, v3, vm0, $0xb8;
	[tilespmem:$0x10080] =	vst v63  }
0xb8: {  	s19 =	simm.s32 $0xB880  }
0xb9: {  	[tilespmem:s19], [sflag:$0x1] =	stream.indirect_vreg.gather [hbm4b:s6+s3], $0x80, v3, vm0, $0xb8;
	[tilespmem:$0x10080] =	vst v63  }
0xba: {  	v3 =	vld [tilespmem:$0x30];
	_ =	sdelay $0x4  }
0xbb: {  	v63 =	vshll.u32 v3, $0x3  }
0xbc: {  	v3 =	vand.u32 $0x7, v3;
	v4 =	vand.u32 $0xFFFFFFC0, v63  }
0xbd: {  	v3 =	vor.u32 v3, v4  }
0xbe: {  	v4 =	vperm.xlane v3, v0;
	_ =	sdelay $0x1  }
0xbf: {  	v4 =	vadd.s32 v1, v4;
	_ =	sdelay $0x3  }
0xc0: {  	s19 =	simm.s32 $0xC080  }
0xc1: {  	[tilespmem:s19], [sflag:$0x1] =	stream.indirect_vreg.gather [hbm4b:s1+s3], $0x80, v4, vm0, $0xb8;
	[tilespmem:$0x10080] =	vst v63  }
0xc2: {  	v3 =	vperm.xlane v3, v2;
	s19 =	simm.s32 $0xC880  }
0xc3: {  	[tilespmem:s19], [sflag:$0x1] =	stream.indirect_vreg.gather [hbm4b:s4+s3], $0x80, v4, vm0, $0xb8;
	[tilespmem:$0x10080] =	vst v63  }
0xc4: {  	v3 =	vadd.s32 v1, v3;
	s19 =	simm.s32 $0xD080  }
0xc5: {  	[tilespmem:s19], [sflag:$0x1] =	stream.indirect_vreg.gather [hbm4b:s5+s3], $0x80, v4, vm0, $0xb8;
	[tilespmem:$0x10080] =	vst v63  }
0xc6: {  	s19 =	simm.s32 $0xD880  }
0xc7: {  	[tilespmem:s19], [sflag:$0x1] =	stream.indirect_vreg.gather [hbm4b:s6+s3], $0x80, v4, vm0, $0xb8;
	[tilespmem:$0x10080] =	vst v63  }
0xc8: {  	s19 =	simm.s32 $0xE080  }
0xc9: {  	[tilespmem:s19], [sflag:$0x1] =	stream.indirect_vreg.gather [hbm4b:s1+s3], $0x80, v3, vm0, $0xb8;
	[tilespmem:$0x10080] =	vst v63  }
0xca: {  	s19 =	simm.s32 $0xE880  }
0xcb: {  	[tilespmem:s19], [sflag:$0x1] =	stream.indirect_vreg.gather [hbm4b:s4+s3], $0x80, v3, vm0, $0xb8;
	[tilespmem:$0x10080] =	vst v63  }
0xcc: {  	s19 =	simm.s32 $0xF080  }
0xcd: {  	[tilespmem:s19], [sflag:$0x1] =	stream.indirect_vreg.gather [hbm4b:s5+s3], $0x80, v3, vm0, $0xb8;
	[tilespmem:$0x10080] =	vst v63  }
0xce: {  	s19 =	simm.s32 $0xF880  }
0xcf: {  	[tilespmem:s19], [sflag:$0x1] =	stream.indirect_vreg.gather [hbm4b:s6+s3], $0x80, v3, vm0, $0xb8;
	[tilespmem:$0x10080] =	vst v63  }
0xd0: {  	_ =	swait.ge [sflag:s18], $0x10000  }
0xd1: {  	p0 =	sne.s32 s7, $0x1;
	[sflag:s18] =	ssyncset.done $0x0  }
.Ltmp0:
0xd2: {  	s2 =	rddreg [dreg:$0x7];
	[sflag:s18] =	ssyncadd.s32 $0xFFFF0000;
	(pc) =	sbr.rel @p0 .LBB2_1-.Ltmp0, $4  }
0xd3: {  	[hbm4b:s2+s3] =	stream.linear.scatter [tilespmem:s0], [sflag:$0x2], $0x10000, $0x38;
	[tilespmem:$0x10080] =	vst v63  }
0xd4: {  	_ =	swait.ge [sflag:s8], $0x10000  }
0xd5: {  	[sflag:s8] =	ssyncset.done $0x0  }
0xd6: {  	s7 =	sadd.s32 $0xFFFFFFFF, s7;
	[sflag:s8] =	ssyncadd.s32 $0xFFFF0000  }
0xd7: {  	_ =	sfence.sel $0x180000  }
0xd8: {  	[bflag:$0x0] =	sbarrier.arrive $0xFFFF  }
0xd9: {  	_ =	strace $0x9000004A  }
0xda: {  	s0 =	stileid.u32;
	[bflag:$0x2] =	sbarrier.arrive $0xFFFF  }
0xdb: {  	p0 =	sne.s32 s0, $0x0;
	s0 =	rddreg [dreg:$0x3]  }
0xdc: {  	s0 =	sadd.s32 @!p0 $0x100000, s0  }
0xdd: {  	[sflag:s0] =	ssyncadd.tile.s32 @!p0 $0x1;
	_ =	shalt  }
.Lfunc_end2:
_tile_overlayer_lowered:
.L_overlay_start_2:
0xde: {  	(tag) =	ssettag $0x2  }
0xdf: {  	s0 =	rddreg [dreg:$0x0];
	s2 =	stileid.u32  }
0xe0: {  	s1 =	rddreg [dreg:$0x1];
	p0 =	sne.s32 s2, $0x0  }
0xe1: {  	s3 =	rddreg [dreg:$0x2];
	[bflag:$0x3] =	sbarrier.arrive $0xFFFF;
	s2 =	simm.s32 @!p0 $0x1C02  }
0xe2: {  	[timem:s3], [sflag:s2] =	dma.local @!p0 [hbm:s0], s1  }
0xe3: {  	s0 =	simm.s32 @!p0 $0x2  }
0xe4: {  	_ =	swait.ge @!p0 [sflag:s0], s1  }
0xe5: {  	s1 =	ssub.s32 @!p0 $0x0, s1;
	[sflag:s0] =	ssyncset.done @!p0 $0x0  }
0xe6: {  	[sflag:s0] =	ssyncadd.s32 @!p0 s1  }
0xe7: {  	[bflag:$0x3] =	sbarrier.arrive $0xFFFF  }
0xe8: {  	_ =	shalt  }

// kernel: kernel.7.cloned.1.call-start
scs
__scs_entry_jumppad:
0x0: {  	(pc) =	sbr.rel $0x88, $3  }
0x1: {  	(tag) =	ssettag $0x0;
	lr =	simm.s32 $0x1  }
0x2: {  	[smem:$0x3F9B] =	sst lr;
	_ =	strace $0xD0000000  }
0x3: {  	_ = 	snop  }
0x4: {  	_ = 	snop  }
0x5: {  	_ = 	snop  }
0x6: {  	_ = 	snop  }
0x7: {  	_ = 	snop  }
__scs_overlays_trampoline_lowered:
0x8: {  	[smem:$0x3FAA] =	sst s0  }
0x9: {  	[smem:$0x3FAB] =	sst s1  }
0xa: {  	[smem:$0x3FAC] =	sst s2  }
0xb: {  	[smem:$0x3FAD] =	sst s3  }
0xc: {  	[smem:$0x3FAE] =	sst s4  }
0xd: {  	[smem:$0x3FAF] =	sst s5  }
0xe: {  	[smem:$0x3FB0] =	sst s6  }
0xf: {  	[smem:$0x3FB1] =	sst s7  }
0x10: {  	[smem:$0x3FB2] =	sst s8  }
0x11: {  	[smem:$0x3FB3] =	sst s9;
	s0 =	simm.s32 @!p0 $0x0  }
0x12: {  	s1 =	sld [smem:$0x3F99];
	s0 =	simm.s32 @p0 $0x1  }
0x13: {  	[smem:$0x3FB4] =	sst s0;
	s0 =	simm.s32 @!p1 $0x0  }
0x14: {  	s2 =	sld [smem:$0x3F98];
	s0 =	simm.s32 @p1 $0x1  }
0x15: {  	[smem:$0x3FB5] =	sst s0;
	s0 =	simm.s32 @!p2 $0x0  }
0x16: {  	s3 =	sld [smem:$0x3FDB];
	s0 =	simm.s32 @p2 $0x1  }
0x17: {  	s4 =	simm.s32 $0x1BF5;
	[smem:$0x3FB7] =	sst s0  }
0x18: {  	s0 =	sld [smem:$0x3F9A];
	_ =	swait.ge [sflag:s4], $0x0  }
0x19: {  	s7 =	sld [smem:$0x3F9B]  }
0x1a: {  	s8 =	sadd.s32 $0xFFFFE003, lr  }
0x1b: {  	s9 =	sadd.s32 $0xFFFFFEF7, lr;
	s5 =	simm.s32 $0xFFFFFFFF;
	p2 =	slt.u32 s8, $0xFFFFF086  }
0x1c: {  	p1 =	slt.u32 s9, $0xF7A;
	s5 =	simm.s32 @!p2 $0x0  }
0x1d: {  	s5 =	simm.s32 @p1 $0x1;
	p0 =	seq.s32 s7, s2  }
0x1e: {  	s7 =	smul.u32 @!p0 $0xF7A, s2;
	p2 =	seq.s32 @!p0 s5, $0x0  }
0x1f: {  	s9 =	smul.u32 $0xF7A, s1;
	s8 =	simm.s32 @!p0 $0x1BF5;
	p2 =	por !p2, p0  }
0x20: {  	[sflag:s8] =	ssyncset.s32 @!p0 $0xFFFFF086;
	s6 =	sadd.s32 @!p0 s3, s7;
	s7 =	simm.s32 @!p0 $0x108  }
0x21: {  	s3 =	sadd.s32 s3, s9;
	s6 =	sadd.s32 @!p0 $0x88, s6;
	s7 =	simm.s32 @p2 $0x1082  }
0x22: {  	[simem:s7], [sflag:s8] =	dma.local @!p0 [hbm:s6], $0xF7A  }
0x23: {  	s9 =	sor.u32 $0xD0000000, s2;
	s6 =	simm.s32 $0x108;
	_ =	swait.ge @!p0 [sflag:s8], $0x0  }
0x24: {  	s3 =	sadd.s32 $0x88, s3;
	s6 =	simm.s32 @!p1 $0x1082;
	[sflag:s4] =	ssyncset.s32 $0xFFFFF086  }
0x25: {  	[simem:s6], [sflag:s4] =	dma.local [hbm:s3], $0xF7A  }
0x26: {  	[smem:$0x3F9B] =	sst s1;
	(tag) =	ssettag s2;
	_ =	strace s9  }
0x27: {  	s1 =	sld [smem:$0x3FAB]  }
0x28: {  	s2 =	sld [smem:$0x3FAC]  }
0x29: {  	s4 =	sld [smem:$0x3FAE]  }
0x2a: {  	p0 =	seq.s32 s5, $0x0;
	s5 =	sld [smem:$0x3FAF]  }
0x2b: {  	s6 =	sld [smem:$0x3FB0]  }
0x2c: {  	s7 =	sld [smem:$0x3FB1]  }
0x2d: {  	s3 =	simm.s32 $0x108;
	s8 =	sld [smem:$0x3FB2]  }
0x2e: {  	s3 =	simm.s32 @!p0 $0x1082;
	s9 =	sld [smem:$0x3FB3]  }
0x2f: {  	lr =	sadd.s32 s0, s3;
	s0 =	sld [smem:$0x3FAA]  }
0x30: {  	s3 =	sld [smem:$0x3FAD]  }
0x31: {  	[smem:$0x3FB6] =	sst s10  }
0x32: {  	s10 =	sld [smem:$0x3FB4];
	_ =	sdelay $0x3  }
0x33: {  	p0 =	seq.s32 s10, $0x1;
	s10 =	sld [smem:$0x3FB6];
	_ =	sdelay $0x3  }
0x34: {  	[smem:$0x3FB6] =	sst s10  }
0x35: {  	s10 =	sld [smem:$0x3FB5];
	_ =	sdelay $0x3  }
0x36: {  	p1 =	seq.s32 s10, $0x1;
	s10 =	sld [smem:$0x3FB6];
	_ =	sdelay $0x3  }
0x37: {  	[smem:$0x3FB6] =	sst s10  }
0x38: {  	s10 =	sld [smem:$0x3FB7]  }
0x39: {  	_ = 	snop;
	(pc) =	sbr.ind lr, $3  }
0x3a: {  	_ = 	snop  }
0x3b: {  	_ = 	snop  }
0x3c: {  	p2 =	seq.s32 s10, $0x1;
	s10 =	sld [smem:$0x3FB6]  }
0x3d: {  	_ =	shalt  }
0x3e: {  	_ =	shalt  }
0x3f: {  	_ =	shalt  }
0x40: {  	_ =	shalt  }
0x41: {  	_ =	shalt  }
0x42: {  	_ =	shalt  }
0x43: {  	_ =	shalt  }
0x44: {  	_ =	shalt  }
0x45: {  	_ =	shalt  }
0x46: {  	_ =	shalt  }
0x47: {  	_ =	shalt  }
0x48: {  	_ =	shalt  }
0x49: {  	_ =	shalt  }
0x4a: {  	_ =	shalt  }
0x4b: {  	_ =	shalt  }
0x4c: {  	_ =	shalt  }
0x4d: {  	_ =	shalt  }
0x4e: {  	_ =	shalt  }
0x4f: {  	_ =	shalt  }
0x50: {  	_ =	shalt  }
0x51: {  	_ =	shalt  }
0x52: {  	_ =	shalt  }
0x53: {  	_ =	shalt  }
0x54: {  	_ =	shalt  }
0x55: {  	_ =	shalt  }
0x56: {  	_ =	shalt  }
0x57: {  	_ =	shalt  }
0x58: {  	_ =	shalt  }
0x59: {  	_ =	shalt  }
0x5a: {  	_ =	shalt  }
0x5b: {  	_ =	shalt  }
0x5c: {  	_ =	shalt  }
0x5d: {  	_ =	shalt  }
0x5e: {  	_ =	shalt  }
0x5f: {  	_ =	shalt  }
0x60: {  	_ =	shalt  }
0x61: {  	_ =	shalt  }
0x62: {  	_ =	shalt  }
0x63: {  	_ =	shalt  }
0x64: {  	_ =	shalt  }
0x65: {  	_ =	shalt  }
0x66: {  	_ =	shalt  }
0x67: {  	_ =	shalt  }
0x68: {  	_ =	shalt  }
0x69: {  	_ =	shalt  }
0x6a: {  	_ =	shalt  }
0x6b: {  	_ =	shalt  }
0x6c: {  	_ =	shalt  }
0x6d: {  	_ =	shalt  }
0x6e: {  	_ =	shalt  }
0x6f: {  	_ =	shalt  }
0x70: {  	_ =	shalt  }
0x71: {  	_ =	shalt  }
0x72: {  	_ =	shalt  }
0x73: {  	_ =	shalt  }
0x74: {  	_ =	shalt  }
0x75: {  	_ =	shalt  }
0x76: {  	_ =	shalt  }
0x77: {  	_ =	shalt  }
0x78: {  	_ =	shalt  }
0x79: {  	_ =	shalt  }
0x7a: {  	_ =	shalt  }
0x7b: {  	_ =	shalt  }
0x7c: {  	_ =	shalt  }
0x7d: {  	_ =	shalt  }
0x7e: {  	_ =	shalt  }
0x7f: {  	_ =	shalt  }
0x80: {  	_ =	shalt  }
0x81: {  	_ =	shalt  }
0x82: {  	_ =	shalt  }
0x83: {  	_ =	shalt  }
0x84: {  	_ =	shalt  }
0x85: {  	_ =	shalt  }
0x86: {  	_ =	shalt  }
0x87: {  	_ =	shalt  }
.Lfunc_end0:
.L_simem_size_0:
called_computation_lowered:
.L_overlay_start_0:
0x88: {  	s2 =	sld [smem:$0x3FD9]  }
0x89: {  	s3 =	sld [smem:$0x3FFE];
	_ =	sdelay $0x1  }
0x8a: {  	s1 =	srdreg.scid  }
0x8b: {  	s0 =	sand.u32 $0x1, s1  }
0x8c: {  	s17 =	sshll.u32 s0, $0xA;
	s2 =	sadd.s32 s3, s2  }
0x8d: {  	s2 =	sadd.s32 s2, s17  }
0x8e: {  	[smem:$0x3FC2] =	sst s2  }
0x8f: {  	_ = 	snop  }
0x90: {  	s2 =	sld [smem:$0x3FD0];
	(tm) =	ssettm $0x1  }
0x91: {  	s18 =	sld [smem:$0x3FFB];
	_ =	sdelay $0x3  }
0x92: {  	_ =	strace s18  }
0x93: {  	s3 =	sld [smem:$0x3FFC];
	_ =	sdelay $0x3  }
0x94: {  	_ =	strace s3  }
0x95: {  	s3 =	sld [smem:$0x3FFD];
	_ =	sdelay $0x3  }
0x96: {  	_ =	strace s3  }
0x97: {  	_ =	strace $0x8FFFFFFF  }
0x98: {  	s19 =	sld [smem:$0x3FDB];
	_ =	sdelay $0x1  }
0x99: {  	s4 =	simm.s32 $_scs_section_size  }
0x9a: {  	s5 =	simm.s32 $_size__tile_overlayer_lowered;
	s6 =	simm.s32 $_tile_overlayer_lowered  }
0x9b: {  	s22 =	simm.s32 $0x1BFF;
	s21 =	sshll.u32 s6, $0x1;
	s3 =	sadd.s32 s4, s19  }
0x9c: {  	s7 =	simm.s32 $0x0;
	s20 =	sshll.u32 s5, $0x1;
	s5 =	sadd.s32 s21, s3  }
0x9d: {  	[timem:s7], [sflag:s22] =	dma.local [hbm:s5], s20  }
0x9e: {  	_ =	swait.ge [sflag:s22], s20  }
0x9f: {  	s4 =	ssub.s32 $0x0, s20;
	[sflag:s22] =	ssyncset.done $0x0  }
0xa0: {  	[sflag:s22] =	ssyncadd.s32 s4;
	_ =	sdelay $0x1  }
0xa1: {  	s23 =	simm.s32 $0x1B8B  }
0xa2: {  	_ =	swait.ge [sflag:s23], $0x1  }
0xa3: {  	[sflag:s23] =	ssyncset.done $0x0  }
0xa4: {  	s25 =	simm.s32 $0x1B8E;
	s24 =	sld [smem:$0x3FFE];
	[sflag:s23] =	ssyncadd.s32 $0xFFFFFFFF  }
0xa5: {  	s26 =	simm.s32 $execute0_lowered;
	[smem:$0x3FD2] =	sst s25  }
0xa6: {  	s5 =	sshll.u32 s26, $0x1;
	_ =	strace $0x80000046;
	[dreg:$0x1] =	wrdreg $0xFFFFFFFF  }
0xa7: {  	s28 =	simm.s32 $_size_execute0_lowered;
	s3 =	sadd.s32 s3, s5;
	[dreg:$0x0] =	wrdreg $0x0  }
0xa8: {  	s5 =	sshll.u32 s28, $0x1;
	[dreg:$0x2] =	wrdreg s3  }
0xa9: {  	[dreg:$0x3] =	wrdreg s5  }
0xaa: {  	[dreg:$0x4] =	wrdreg $0xC0  }
0xab: {  	_ =	task [dreg:s7], $0x5FFFF  }
0xac: {  	[dreg:$0x1] =	wrdreg $0xFFFFFFFF  }
0xad: {  	[dreg:$0x0] =	wrdreg $0x60  }
0xae: {  	[dreg:$0x2] =	wrdreg s2  }
0xaf: {  	[dreg:$0x3] =	wrdreg s24  }
0xb0: {  	[dreg:$0x4] =	wrdreg $0x9  }
0xb1: {  	_ =	task.clear_ibuf [dreg:s7], $0x5FFFF;
	_ =	strace $0x90000046  }
0xb2: {  	s29 =	simm.s32 $0x9;
	_ =	strace $0x80000048  }
0xb3: {  	_ =	swait.ge [sflag:s29], $0x1  }
0xb4: {  	[sflag:s29] =	ssyncadd.s32 $0xFFFFFFFF  }
0xb5: {  	_ =	strace $0x90000048  }
0xb6: {  	_ =	sfence  }
0xb7: {  	s30 =	sld [smem:$0x0];
	_ =	sdelay $0x2  }
0xb8: {  	s31 =	sshll.u32 s1, $0xD;
	s1 =	sshrl.u32 s1, $0x2  }
0xb9: {  	s3 =	sand.u32 $0x4000, s31;
	s1 =	sadd.s32 s1, s30  }
0xba: {  	s0 =	sor.u32 s3, s0;
	s1 =	sshll.u32 s1, $0x11  }
0xbb: {  	s0 =	sor.u32 s1, s0  }
0xbc: {  	s0 =	sadd.s32 $0x8F2B, s0  }
0xbd: {  	[sflag:s0] =	ssyncadd.remote.s32 $0x1  }
0xbe: {  	_ =	sfence.sel $0xFFFF  }
0xbf: {  	[dreg:$0x0] =	wrdreg $0xFFFFFFFF;
	(pc) =	sbr.abs _section_cstart, $3  }
0xc0: {  	[dreg:$0x1] =	wrdreg $0xFFFFFFFF  }
0xc1: {  	_ =	task.clear_ibuf [dreg:s7], $0x2FFFF;
	_ =	strace $0x9FFFFFFF  }
0xc2: {  	(tm) =	ssettm $0x7FFFFFFF  }
0xc3: {  	_ =	shalt  }
tec
execute0_lowered:
.L_overlay_start_1:
0x0: {  	(tag) =	ssettag $0x1  }
0x1: {  	s1 =	stileid.u32  }
0x2: {  	p0 =	sgt.u32 s1, $0x3  }
.Ltmp0:
0x3: {  	_ = 	snop;
	(pc) =	sbr.rel @p0 .LBB2_5-.Ltmp0, $4  }
0x4: {  	s6 =	rddreg [dreg:$0x0]  }
0x5: {  	s4 =	rddreg [dreg:$0x1];
	s2 =	simm.s32 $0x0  }
0x6: {  	[smem:$0x7FF] =	sst s2  }
0x7: {  	s0 =	rddreg [dreg:$0x2];
	_ =	strace $0x80000047  }
0x8: {  	s3 =	srdreg.scid  }
0x9: {  	s7 =	sshll.u32 s1, $0x4;
	s10 =	simm.s32 $0x3;
	s11 =	simm.s32 $0x1000  }
0xa: {  	s12 =	simm.s32 $0x2000;
	s13 =	simm.s32 $0x1;
	s3 =	sand.u32 $0x1, s3  }
0xb: {  	s14 =	simm.s32 $0x2;
	s15 =	simm.s32 $0x0;
	s5 =	sshll.u32 s3, $0x6  }
0xc: {  	s8 =	ssub.s32 $0x2, s3;
	s3 =	sadd.s32 $0x2E00, s4;
	s7 =	sadd.s32 s7, s5  }
0xd: {  	s9 =	sshrl.u32 s8, $0x1;
	s5 =	sadd.s32 s7, s4;
	s4 =	sadd.s32 $0x3200, s4  }
0xe: {  	s8 =	ssub.s32 s8, s9;
	s6 =	sadd.s32 s6, s7;
	s9 =	simm.s32 $0x400  }
0xf: {  	v0 =	vlaneseq.u32;
	s5 =	sadd.s32 $0x1E00, s5;
	s7 =	smax.u32 s8, $0x1;
	s8 =	simm.s32 $0x80  }
.LBB2_2:
0x10: {  	s16 =	simm.s32 $0x0  }
0x11: {  	[tilespmem:s16], [sflag:$0x3] =	stream.strided.gather [hbm4b:s6+s8], $0x1000, s9, s8, $0x38;
	[tilespmem:$0x3000] =	vst v63  }
0x12: {  	_ =	swait.ge [sflag:s10], $0x1000  }
0x13: {  	[sflag:s10] =	ssyncset.done $0x0  }
0x14: {  	[sflag:s10] =	ssyncadd.s32 $0xFFFFF000  }
0x15: {  	[tilespmem:s11], [sflag:$0x3] =	stream.strided.gather [hbm4b:s5+s8], $0x1000, s9, s8, $0x38;
	[tilespmem:$0x3000] =	vst v63  }
0x16: {  	_ =	swait.ge [sflag:s10], $0x1000  }
0x17: {  	[sflag:s10] =	ssyncset.done $0x0  }
0x18: {  	v1 =	vor.u32 s16, v0;
	[sflag:s10] =	ssyncadd.s32 $0xFFFFF000  }
0x19: {  	s17 =	simm.s32 $0x2000;
	s16 =	simm.s32 $0x10;
	[tilespmem:s12+$0x0] =	vst v1  }
.LBB2_3:
0x1a: {  	p0 =	sne.s32 s16, $0xFF0  }
.Ltmp1:
0x1b: {  	_ = 	snop;
	(pc) =	sbr.rel @p0 .LBB2_3-.Ltmp1, $3  }
0x1c: {  	_ =	sdelay $0x1  }
0x1d: {  	v1 =	vor.u32 s16, v0;
	s16 =	sadd.s32 $0x10, s16;
	s17 =	sadd.s32 $0x10, s17  }
0x1e: {  	[tilespmem:s17+$0x0] =	vst v1  }
0x1f: {  	[hbm4b:s3+s11] =	stream.indirect.scatter [tilespmem:s12], [sflag:$0x1], $0x1, s2, s11, $0xb8;
	[tilespmem:$0x3000] =	vst v63  }
0x20: {  	s15 =	sadd.s32 $0x1, s15  }
0x21: {  	[hbm4b:s4+s11] =	stream.indirect.scatter [tilespmem:s11], [sflag:$0x2], $0x1, s2, s11, $0xb8;
	[tilespmem:$0x3000] =	vst v63  }
0x22: {  	p0 =	sne.s32 s15, s7;
	_ =	swait.ge [sflag:s13], $0x1000  }
.Ltmp2:
0x23: {  	[sflag:s13] =	ssyncset.done $0x0;
	(pc) =	sbr.rel @p0 .LBB2_2-.Ltmp2, $4  }
0x24: {  	[sflag:s13] =	ssyncadd.s32 $0xFFFFF000  }
0x25: {  	_ =	swait.ge [sflag:s14], $0x1000  }
0x26: {  	[sflag:s14] =	ssyncset.done $0x0  }
0x27: {  	[sflag:s14] =	ssyncadd.s32 $0xFFFFF000  }
.LBB2_5:
0x28: {  	_ =	sfence.sel $0x180000  }
0x29: {  	[bflag:$0x0] =	sbarrier.arrive $0xFFFF  }
0x2a: {  	p0 =	sne.s32 s1, $0x0;
	_ =	strace $0x90000047  }
0x2b: {  	s0 =	sadd.s32 @!p0 $0x100000, s0;
	[bflag:$0x2] =	sbarrier.arrive $0xFFFF  }
0x2c: {  	[sflag:s0] =	ssyncadd.tile.s32 @!p0 $0x1;
	_ =	shalt  }
.Lfunc_end2:
_tile_overlayer_lowered:
.L_overlay_start_2:
0x2d: {  	(tag) =	ssettag $0x2  }
0x2e: {  	s0 =	rddreg [dreg:$0x0];
	s2 =	stileid.u32  }
0x2f: {  	s1 =	rddreg [dreg:$0x1];
	p0 =	sne.s32 s2, $0x0  }
0x30: {  	s3 =	rddreg [dreg:$0x2];
	[bflag:$0x3] =	sbarrier.arrive $0xFFFF;
	s2 =	simm.s32 @!p0 $0x1C03  }
0x31: {  	[timem:s3], [sflag:s2] =	dma.local @!p0 [hbm:s0], s1  }
0x32: {  	s0 =	simm.s32 @!p0 $0x3  }
0x33: {  	_ =	swait.ge @!p0 [sflag:s0], s1  }
0x34: {  	s1 =	ssub.s32 @!p0 $0x0, s1;
	[sflag:s0] =	ssyncset.done @!p0 $0x0  }
0x35: {  	[sflag:s0] =	ssyncadd.s32 @!p0 s1  }
0x36: {  	[bflag:$0x3] =	sbarrier.arrive $0xFFFF  }
0x37: {  	_ =	shalt  }

</sc_bundles>
